<compile_context>
chip_gen: v7x
topology: tpu7x:2x2x1
jax: 0.10.2.dev20260603
libtpu: 0.0.44.dev20260713+nightly
codegen_flags: <defaults>
</compile_context>

<pallas_src>
import functools

import jax
import jax.numpy as jnp
from jax import lax
from jax.experimental import pallas as pl
from jax.experimental.pallas import tpu as pltpu
from jax.experimental.pallas import tpu_sc as plsc

N = 10000
N_ACC = 10240
D = 128
NC, NS = 2, 16
NW = NC * NS
CHUNK = 80
NCHUNK = 125
ROWS_Z = N_ACC // NS


def _sc_mesh():
    return plsc.VectorSubcoreMesh(
        core_axis_name="c", subcore_axis_name="s", num_cores=NC, num_subcores=NS
    )


def _sc_degree(dst3):

    @functools.partial(
        pl.kernel,
        mesh=_sc_mesh(),
        out_type=jax.ShapeDtypeStruct((NC, N_ACC), jnp.float32),
        scratch_types=[
            pltpu.VMEM((NCHUNK, CHUNK), jnp.int32),
            pltpu.VMEM((128,), jnp.float32),
            pltpu.VMEM((ROWS_Z,), jnp.float32),
            pltpu.VMEM_SHARED((N_ACC,), jnp.float32),
            pltpu.SemaphoreType.DMA,
        ],
    )
    def k(dst_hbm, out_hbm, dst_v, ones_v, zeros_v, acc_sh, sem):
        c = lax.axis_index("c")
        s = lax.axis_index("s")
        wid = c * NS + s
        pltpu.sync_copy(dst_hbm.at[wid], dst_v)
        for j in range(128 // 16):
            ones_v[pl.ds(j * 16, 16)] = jnp.full((16,), 1.0, jnp.float32)
        for j in range(ROWS_Z // 16):
            zeros_v[pl.ds(j * 16, 16)] = jnp.zeros((16,), jnp.float32)
        pltpu.sync_copy(zeros_v, acc_sh.at[pl.ds(s * ROWS_Z, ROWS_Z)])
        plsc.subcore_barrier()

        ones_c = ones_v.at[pl.ds(0, CHUNK)]

        def body(i, carry):
            for j in range(5):
                pltpu.async_copy(
                    ones_c, acc_sh.at[dst_v.at[i * 5 + j]], sem, add=True
                )
            for j in range(5):
                pltpu.make_async_copy(
                    ones_c, acc_sh.at[dst_v.at[i * 5 + j]], sem
                ).wait()
            return carry

        lax.fori_loop(0, NCHUNK // 5, body, 0)
        plsc.subcore_barrier()
        pltpu.sync_copy(
            acc_sh.at[pl.ds(s * ROWS_Z, ROWS_Z)],
            out_hbm.at[c, pl.ds(s * ROWS_Z, ROWS_Z)],
        )

    return k(dst3)


def _sc_scatter(g, src2, dst2):

    @functools.partial(
        pl.kernel,
        mesh=_sc_mesh(),
        out_type=jax.ShapeDtypeStruct((NC, N_ACC, D), jnp.float32),
        scratch_types=[
            [pltpu.VMEM((CHUNK,), jnp.int32)] * 3,
            [pltpu.VMEM((CHUNK,), jnp.int32)] * 3,
            [pltpu.VMEM((CHUNK, D), jnp.float32)] * 3,
            pltpu.VMEM_SHARED((N_ACC, D), jnp.float32),
            [pltpu.SemaphoreType.DMA] * 3,
            [pltpu.SemaphoreType.DMA] * 3,
            [pltpu.SemaphoreType.DMA] * 3,
            [pltpu.SemaphoreType.DMA] * 3,
            [pltpu.SemaphoreType.DMA] * 3,
        ],
    )
    def k(g_hbm, src_hbm, dst_hbm, out_hbm,
          srcb, dstb, rows, acc_sh, is_, id_, gs, gs2, ss):

        H = CHUNK // 2

        def fire_gather(m):
            pltpu.async_copy(
                g_hbm.at[srcb[m].at[pl.ds(0, H)]], rows[m].at[pl.ds(0, H)], gs[m]
            )
            pltpu.async_copy(
                g_hbm.at[srcb[m].at[pl.ds(H, H)]], rows[m].at[pl.ds(H, H)], gs2[m]
            )

        def wait_gather(m):
            pltpu.make_async_copy(
                g_hbm.at[srcb[m].at[pl.ds(0, H)]], rows[m].at[pl.ds(0, H)], gs[m]
            ).wait()
            pltpu.make_async_copy(
                g_hbm.at[srcb[m].at[pl.ds(H, H)]], rows[m].at[pl.ds(H, H)], gs2[m]
            ).wait()
        c = lax.axis_index("c")
        s = lax.axis_index("s")
        wid = c * NS + s
        base = wid * NCHUNK

        def zrow(i, carry):
            for j in range(D // 16):
                rows[0][i, pl.ds(j * 16, 16)] = jnp.zeros((16,), jnp.float32)
            return carry

        lax.fori_loop(0, CHUNK, zrow, 0)
        for t in range(ROWS_Z // CHUNK):
            pltpu.sync_copy(rows[0], acc_sh.at[pl.ds(s * ROWS_Z + t * CHUNK, CHUNK)])
        plsc.subcore_barrier()

        for m in range(3):
            pltpu.async_copy(src_hbm.at[base + m], srcb[m], is_[m])
            pltpu.async_copy(dst_hbm.at[base + m], dstb[m], id_[m])
        for m in range(3):
            pltpu.make_async_copy(src_hbm.at[base + m], srcb[m], is_[m]).wait()
            fire_gather(m)

        def body(i, carry):
            k0 = 3 * i
            for m in range(3):
                k = k0 + m
                wait_gather(m)
                pltpu.make_async_copy(dst_hbm.at[base + k], dstb[m], id_[m]).wait()
                pltpu.async_copy(rows[m], acc_sh.at[dstb[m]], ss[m], add=True)

                @pl.when(k + 3 < NCHUNK)
                def _():
                    pltpu.async_copy(src_hbm.at[base + k + 3], srcb[m], is_[m])

            for m in range(3):
                k = k0 + m
                pltpu.make_async_copy(rows[m], acc_sh.at[dstb[m]], ss[m]).wait()

                @pl.when(k + 3 < NCHUNK)
                def _():
                    pltpu.async_copy(dst_hbm.at[base + k + 3], dstb[m], id_[m])
                    pltpu.make_async_copy(
                        src_hbm.at[base + k + 3], srcb[m], is_[m]
                    ).wait()
                    fire_gather(m)

            return carry

        lax.fori_loop(0, NCHUNK // 3, body, 0)
        for m in range(NCHUNK - 3 * (NCHUNK // 3)):
            k = 3 * (NCHUNK // 3) + m
            wait_gather(m)
            pltpu.make_async_copy(dst_hbm.at[base + k], dstb[m], id_[m]).wait()
            pltpu.async_copy(rows[m], acc_sh.at[dstb[m]], ss[m], add=True)
            pltpu.make_async_copy(rows[m], acc_sh.at[dstb[m]], ss[m]).wait()
        plsc.subcore_barrier()
        pltpu.sync_copy(
            acc_sh.at[pl.ds(s * ROWS_Z, ROWS_Z)],
            out_hbm.at[c, pl.ds(s * ROWS_Z, ROWS_Z)],
        )

    return k(g, src2, dst2)


def _tc_prep(x, W_pre, b_pre2, W_conv, deg_b):
    R = 2000
    grid = N // R

    def body(x_ref, wp_ref, bp_ref, wc_ref, degb_ref, ori_ref, g_ref):
        ori = (
            jnp.dot(x_ref[...], wp_ref[...], preferred_element_type=jnp.float32)
            + bp_ref[...]
        )
        ori_ref[...] = ori
        h2 = jnp.dot(ori, wc_ref[...], preferred_element_type=jnp.float32)
        dis = lax.rsqrt(lax.broadcast_in_dim(degb_ref[...], (R, D), (0, 1)))
        g_ref[...] = dis * h2

    return pl.pallas_call(
        body,
        grid=(grid,),
        in_specs=[
            pl.BlockSpec((R, D), lambda i: (i, 0)),
            pl.BlockSpec((D, D), lambda i: (0, 0)),
            pl.BlockSpec((1, D), lambda i: (0, 0)),
            pl.BlockSpec((D, D), lambda i: (0, 0)),
            pl.BlockSpec((R, 1), lambda i: (i, 0)),
        ],
        out_specs=[
            pl.BlockSpec((R, D), lambda i: (i, 0)),
            pl.BlockSpec((R, D), lambda i: (i, 0)),
        ],
        out_shape=[
            jax.ShapeDtypeStruct((N, D), jnp.float32),
            jax.ShapeDtypeStruct((N, D), jnp.float32),
        ],
    )(x, W_pre, b_pre2, W_conv, deg_b)


def _tc_finish(P, g, deg_b, b_conv2):
    R = 2000
    grid = N // R

    def body(p_ref, g_ref, degb_ref, bc_ref, out_ref):
        tot = p_ref[0] + p_ref[1] + g_ref[...]
        dis = lax.rsqrt(lax.broadcast_in_dim(degb_ref[...], (R, D), (0, 1)))
        out_ref[...] = jnp.maximum(dis * tot + bc_ref[...], 0.0)

    return pl.pallas_call(
        body,
        grid=(grid,),
        in_specs=[
            pl.BlockSpec((NC, R, D), lambda i: (0, i, 0)),
            pl.BlockSpec((R, D), lambda i: (i, 0)),
            pl.BlockSpec((R, 1), lambda i: (i, 0)),
            pl.BlockSpec((1, D), lambda i: (0, 0)),
        ],
        out_specs=pl.BlockSpec((R, D), lambda i: (i, 0)),
        out_shape=jax.ShapeDtypeStruct((N, D), jnp.float32),
    )(P, g, deg_b, b_conv2)


def kernel(x, edge_index, W_pre, b_pre, W_conv, b_conv):
    src2 = edge_index[0].reshape(NW * NCHUNK, CHUNK)
    dst2 = edge_index[1].reshape(NW * NCHUNK, CHUNK)
    dst3 = edge_index[1].reshape(NW, NCHUNK, CHUNK)
    deg_parts = _sc_degree(dst3)
    deg_b = (deg_parts[0] + deg_parts[1] + 1.0)[:N, None]

    ori, g = _tc_prep(x, W_pre, b_pre[None, :], W_conv, deg_b)
    P = _sc_scatter(g, src2, dst2)
    h = _tc_finish(P, g, deg_b, b_conv[None, :])
    return h, ori

# --- scband reference (transcript-rebuilt; emitter-appended) ---
"""Pipeline reference for scband-schema-gcn-61151744361083 (READ-ONLY COPY).

The authoritative reference and input builder live on the scoring server;
editing this copy changes nothing except your own understanding.
"""

import jax, jax.numpy as jnp
import numpy as np

N = 10000
E = 320000
D_IN = 128
D_HID = 128


def setup_inputs(seed: int = 0) -> dict:
    key = jax.random.key(seed)
    k1, k2, k3, k4, k5, k6 = jax.random.split(key, 6)
    x = jax.random.normal(k1, (N, D_IN), dtype=jnp.float32)
    edge_index = jax.random.randint(k2, (2, E), 0, N, dtype=jnp.int32)
    # pre_process Linear(in_channels, hidden_channels): weight [hid, in], bias [hid]
    W_pre = jax.random.normal(k3, (D_IN, D_HID), dtype=jnp.float32) * (1.0 / np.sqrt(D_IN))
    b_pre = jnp.zeros((D_HID,), dtype=jnp.float32)
    # GCNConv(hidden, hidden): weight [hid, hid], bias [hid]
    W_conv = jax.random.normal(k4, (D_HID, D_HID), dtype=jnp.float32) * (1.0 / np.sqrt(D_HID))
    b_conv = jnp.zeros((D_HID,), dtype=jnp.float32)
    return {"x": x, "edge_index": edge_index, "W_pre": W_pre, "b_pre": b_pre, "W_conv": W_conv, "b_conv": b_conv}


def gcn_conv(h, edge_index, W, b, n_nodes):
    # PyG GCNConv: linear transform first, then normalized propagate, then bias
    h = h @ W
    loop = jnp.arange(n_nodes, dtype=edge_index.dtype)
    src = jnp.concatenate([edge_index[0], loop])
    dst = jnp.concatenate([edge_index[1], loop])
    # symmetric gcn norm: deg computed on dst with edge weight 1 (incl. self loops)
    deg = jnp.zeros((n_nodes,), dtype=h.dtype).at[dst].add(1.0)
    deg_inv_sqrt = jnp.where(deg > 0, 1.0 / jnp.sqrt(deg), 0.0)
    norm = deg_inv_sqrt[src] * deg_inv_sqrt[dst]
    msg = h[src] * norm[:, None]
    out = jnp.zeros((n_nodes, h.shape[1]), dtype=h.dtype).at[dst].add(msg)
    return out + b


def reference(x, edge_index, W_pre, b_pre, W_conv, b_conv):
    h = x @ W_pre + b_pre
    ori_x = h
    h = jax.nn.relu(gcn_conv(h, edge_index, W_conv, b_conv, N))
    return (h, ori_x)

if __name__ == "__main__":
    import jax
    _d = setup_inputs()
    print(jax.jit(kernel)(*tuple(_d.values())))

</pallas_src>

<mosaic_0001>
#map = affine_map<(d0, d1) -> (0, 0, 0)>
#map1 = affine_map<(d0, d1) -> (0, 0)>
module attributes {stable_mosaic.version = 14 : i64} {
  func.func @k(%arg0: i32, %arg1: i32, %arg2: memref<32x125x80xi32, #tpu.memory_space<hbm>>, %arg3: memref<2x10240xf32, #tpu.memory_space<hbm>>, %arg4: memref<125x80xi32, #tpu.memory_space<vmem>>, %arg5: memref<128xf32, #tpu.memory_space<vmem>>, %arg6: memref<640xf32, #tpu.memory_space<vmem>>, %arg7: memref<10240xf32, #tpu.memory_space<vmem_shared>>, %arg8: memref<!tpu.dma_semaphore, #tpu.memory_space<semaphore_mem>>) attributes {dimension_semantics = [#tpu.dimension_semantics<core_parallel>, #tpu.dimension_semantics<subcore_parallel>], iteration_bounds = array<i64: 2, 16>, scalar_prefetch = 0 : i64, scratch_operands = 5 : i64, tpu.core_type = #tpu.core_type<sc_vector_subcore>, window_params = [{transform_indices = #map}, {transform_indices = #map1}]} {
    %mul3A = arith.constant 16 : i32
    %mul3A_0 = arith.muli %arg0, %mul3A : i32
    %add3A = arith.addi %mul3A_0, %arg1 : i32
    "tpu.region"() ({
      %run_scoped3A = tpu.sem_alloc : memref<!tpu.dma_semaphore, #tpu.memory_space<semaphore_mem>>
      %dma_start3A = arith.constant 0 : i32
      %dma_start3A_299 = arith.constant 0 : i32
      %dma_start3A_300 = tpu.memref_slice %arg2[%add3A, %dma_start3A, %dma_start3A_299] : memref<32x125x80xi32, #tpu.memory_space<hbm>> -> memref<1x125x80xi32, #tpu.memory_space<hbm>>
      %dma_start3A_301 = tpu.memref_squeeze %dma_start3A_300 : memref<1x125x80xi32, #tpu.memory_space<hbm>> -> memref<125x80xi32, #tpu.memory_space<hbm>>
      %dma_start3A_302 = arith.constant 0 : i32
      %dma_start3A_303 = arith.constant 0 : i32
      %dma_start3A_304 = tpu.memref_slice %arg2[%add3A, %dma_start3A_302, %dma_start3A_303] : memref<32x125x80xi32, #tpu.memory_space<hbm>> -> memref<1x125x80xi32, #tpu.memory_space<hbm>>
      %dma_start3A_305 = tpu.memref_squeeze %dma_start3A_304 : memref<1x125x80xi32, #tpu.memory_space<hbm>> -> memref<125x80xi32, #tpu.memory_space<hbm>>
      tpu.enqueue_dma source(%dma_start3A_305 : memref<125x80xi32, #tpu.memory_space<hbm>>) target(%arg4 : memref<125x80xi32, #tpu.memory_space<vmem>>) target_semaphore(%run_scoped3A : memref<!tpu.dma_semaphore, #tpu.memory_space<semaphore_mem>>)
      %dma_wait3A = arith.constant 0 : i32
      %dma_wait3A_306 = arith.constant 0 : i32
      %dma_wait3A_307 = tpu.memref_slice %arg2[%add3A, %dma_wait3A, %dma_wait3A_306] : memref<32x125x80xi32, #tpu.memory_space<hbm>> -> memref<1x125x80xi32, #tpu.memory_space<hbm>>
      %dma_wait3A_308 = tpu.memref_squeeze %dma_wait3A_307 : memref<1x125x80xi32, #tpu.memory_space<hbm>> -> memref<125x80xi32, #tpu.memory_space<hbm>>
      %dma_wait3A_309 = arith.constant 0 : i32
      %dma_wait3A_310 = arith.constant 0 : i32
      %dma_wait3A_311 = tpu.memref_slice %arg2[%add3A, %dma_wait3A_309, %dma_wait3A_310] : memref<32x125x80xi32, #tpu.memory_space<hbm>> -> memref<1x125x80xi32, #tpu.memory_space<hbm>>
      %dma_wait3A_312 = tpu.memref_squeeze %dma_wait3A_311 : memref<1x125x80xi32, #tpu.memory_space<hbm>> -> memref<125x80xi32, #tpu.memory_space<hbm>>
      tpu.wait_dma2 semaphore(%run_scoped3A : memref<!tpu.dma_semaphore, #tpu.memory_space<semaphore_mem>>) src(%dma_wait3A_312 : memref<125x80xi32, #tpu.memory_space<hbm>>) dst(%arg4 : memref<125x80xi32, #tpu.memory_space<vmem>>)
      tpu.yield
    }) : () -> ()
    %broadcast_in_dim3A = arith.constant 1.000000e+00 : f32
    %broadcast_in_dim3A_1 = vector.broadcast %broadcast_in_dim3A : f32 to vector<16xf32>
    %swap3A = arith.constant 0 : index
    %swap3A_2 = tpu.vector_load %arg5[%swap3A] {strides = array<i32>} : memref<128xf32, #tpu.memory_space<vmem>>, vector<16xf32>,
    %swap3A_3 = vector.shape_cast %swap3A_2 : vector<16xf32> to vector<16xf32>
    %swap3A_4 = vector.shape_cast %broadcast_in_dim3A_1 : vector<16xf32> to vector<16xf32>
    tpu.vector_store %arg5[%swap3A], %swap3A_4 {strides = array<i32>} : memref<128xf32, #tpu.memory_space<vmem>>, vector<16xf32>,
    %broadcast_in_dim3A_5 = arith.constant 1.000000e+00 : f32
    %broadcast_in_dim3A_6 = vector.broadcast %broadcast_in_dim3A_5 : f32 to vector<16xf32>
    %swap3A_7 = arith.constant 16 : index
    %swap3A_8 = tpu.vector_load %arg5[%swap3A_7] {strides = array<i32>} : memref<128xf32, #tpu.memory_space<vmem>>, vector<16xf32>,
    %swap3A_9 = vector.shape_cast %swap3A_8 : vector<16xf32> to vector<16xf32>
    %swap3A_10 = vector.shape_cast %broadcast_in_dim3A_6 : vector<16xf32> to vector<16xf32>
    tpu.vector_store %arg5[%swap3A_7], %swap3A_10 {strides = array<i32>} : memref<128xf32, #tpu.memory_space<vmem>>, vector<16xf32>,
    %broadcast_in_dim3A_11 = arith.constant 1.000000e+00 : f32
    %broadcast_in_dim3A_12 = vector.broadcast %broadcast_in_dim3A_11 : f32 to vector<16xf32>
    %swap3A_13 = arith.constant 32 : index
    %swap3A_14 = tpu.vector_load %arg5[%swap3A_13] {strides = array<i32>} : memref<128xf32, #tpu.memory_space<vmem>>, vector<16xf32>,
    %swap3A_15 = vector.shape_cast %swap3A_14 : vector<16xf32> to vector<16xf32>
    %swap3A_16 = vector.shape_cast %broadcast_in_dim3A_12 : vector<16xf32> to vector<16xf32>
    tpu.vector_store %arg5[%swap3A_13], %swap3A_16 {strides = array<i32>} : memref<128xf32, #tpu.memory_space<vmem>>, vector<16xf32>,
    %broadcast_in_dim3A_17 = arith.constant 1.000000e+00 : f32
    %broadcast_in_dim3A_18 = vector.broadcast %broadcast_in_dim3A_17 : f32 to vector<16xf32>
    %swap3A_19 = arith.constant 48 : index
    %swap3A_20 = tpu.vector_load %arg5[%swap3A_19] {strides = array<i32>} : memref<128xf32, #tpu.memory_space<vmem>>, vector<16xf32>,
    %swap3A_21 = vector.shape_cast %swap3A_20 : vector<16xf32> to vector<16xf32>
    %swap3A_22 = vector.shape_cast %broadcast_in_dim3A_18 : vector<16xf32> to vector<16xf32>
    tpu.vector_store %arg5[%swap3A_19], %swap3A_22 {strides = array<i32>} : memref<128xf32, #tpu.memory_space<vmem>>, vector<16xf32>,
    %broadcast_in_dim3A_23 = arith.constant 1.000000e+00 : f32
    %broadcast_in_dim3A_24 = vector.broadcast %broadcast_in_dim3A_23 : f32 to vector<16xf32>
    %swap3A_25 = arith.constant 64 : index
    %swap3A_26 = tpu.vector_load %arg5[%swap3A_25] {strides = array<i32>} : memref<128xf32, #tpu.memory_space<vmem>>, vector<16xf32>,
    %swap3A_27 = vector.shape_cast %swap3A_26 : vector<16xf32> to vector<16xf32>
    %swap3A_28 = vector.shape_cast %broadcast_in_dim3A_24 : vector<16xf32> to vector<16xf32>
    tpu.vector_store %arg5[%swap3A_25], %swap3A_28 {strides = array<i32>} : memref<128xf32, #tpu.memory_space<vmem>>, vector<16xf32>,
    %broadcast_in_dim3A_29 = arith.constant 1.000000e+00 : f32
    %broadcast_in_dim3A_30 = vector.broadcast %broadcast_in_dim3A_29 : f32 to vector<16xf32>
    %swap3A_31 = arith.constant 80 : index
    %swap3A_32 = tpu.vector_load %arg5[%swap3A_31] {strides = array<i32>} : memref<128xf32, #tpu.memory_space<vmem>>, vector<16xf32>,
    %swap3A_33 = vector.shape_cast %swap3A_32 : vector<16xf32> to vector<16xf32>
    %swap3A_34 = vector.shape_cast %broadcast_in_dim3A_30 : vector<16xf32> to vector<16xf32>
    tpu.vector_store %arg5[%swap3A_31], %swap3A_34 {strides = array<i32>} : memref<128xf32, #tpu.memory_space<vmem>>, vector<16xf32>,
    %broadcast_in_dim3A_35 = arith.constant 1.000000e+00 : f32
    %broadcast_in_dim3A_36 = vector.broadcast %broadcast_in_dim3A_35 : f32 to vector<16xf32>
    %swap3A_37 = arith.constant 96 : index
    %swap3A_38 = tpu.vector_load %arg5[%swap3A_37] {strides = array<i32>} : memref<128xf32, #tpu.memory_space<vmem>>, vector<16xf32>,
    %swap3A_39 = vector.shape_cast %swap3A_38 : vector<16xf32> to vector<16xf32>
    %swap3A_40 = vector.shape_cast %broadcast_in_dim3A_36 : vector<16xf32> to vector<16xf32>
    tpu.vector_store %arg5[%swap3A_37], %swap3A_40 {strides = array<i32>} : memref<128xf32, #tpu.memory_space<vmem>>, vector<16xf32>,
    %broadcast_in_dim3A_41 = arith.constant 1.000000e+00 : f32
    %broadcast_in_dim3A_42 = vector.broadcast %broadcast_in_dim3A_41 : f32 to vector<16xf32>
    %swap3A_43 = arith.constant 112 : index
    %swap3A_44 = tpu.vector_load %arg5[%swap3A_43] {strides = array<i32>} : memref<128xf32, #tpu.memory_space<vmem>>, vector<16xf32>,
    %swap3A_45 = vector.shape_cast %swap3A_44 : vector<16xf32> to vector<16xf32>
    %swap3A_46 = vector.shape_cast %broadcast_in_dim3A_42 : vector<16xf32> to vector<16xf32>
    tpu.vector_store %arg5[%swap3A_43], %swap3A_46 {strides = array<i32>} : memref<128xf32, #tpu.memory_space<vmem>>, vector<16xf32>,
    %broadcast_in_dim3A_47 = arith.constant 0.000000e+00 : f32
    %broadcast_in_dim3A_48 = vector.broadcast %broadcast_in_dim3A_47 : f32 to vector<16xf32>
    %swap3A_49 = arith.constant 0 : index
    %swap3A_50 = tpu.vector_load %arg6[%swap3A_49] {strides = array<i32>} : memref<640xf32, #tpu.memory_space<vmem>>, vector<16xf32>,
    %swap3A_51 = vector.shape_cast %swap3A_50 : vector<16xf32> to vector<16xf32>
    %swap3A_52 = vector.shape_cast %broadcast_in_dim3A_48 : vector<16xf32> to vector<16xf32>
    tpu.vector_store %arg6[%swap3A_49], %swap3A_52 {strides = array<i32>} : memref<640xf32, #tpu.memory_space<vmem>>, vector<16xf32>,
    %broadcast_in_dim3A_53 = arith.constant 0.000000e+00 : f32
    %broadcast_in_dim3A_54 = vector.broadcast %broadcast_in_dim3A_53 : f32 to vector<16xf32>
    %swap3A_55 = arith.constant 16 : index
    %swap3A_56 = tpu.vector_load %arg6[%swap3A_55] {strides = array<i32>} : memref<640xf32, #tpu.memory_space<vmem>>, vector<16xf32>,
    %swap3A_57 = vector.shape_cast %swap3A_56 : vector<16xf32> to vector<16xf32>
    %swap3A_58 = vector.shape_cast %broadcast_in_dim3A_54 : vector<16xf32> to vector<16xf32>
    tpu.vector_store %arg6[%swap3A_55], %swap3A_58 {strides = array<i32>} : memref<640xf32, #tpu.memory_space<vmem>>, vector<16xf32>,
    %broadcast_in_dim3A_59 = arith.constant 0.000000e+00 : f32
    %broadcast_in_dim3A_60 = vector.broadcast %broadcast_in_dim3A_59 : f32 to vector<16xf32>
    %swap3A_61 = arith.constant 32 : index
    %swap3A_62 = tpu.vector_load %arg6[%swap3A_61] {strides = array<i32>} : memref<640xf32, #tpu.memory_space<vmem>>, vector<16xf32>,
    %swap3A_63 = vector.shape_cast %swap3A_62 : vector<16xf32> to vector<16xf32>
    %swap3A_64 = vector.shape_cast %broadcast_in_dim3A_60 : vector<16xf32> to vector<16xf32>
    tpu.vector_store %arg6[%swap3A_61], %swap3A_64 {strides = array<i32>} : memref<640xf32, #tpu.memory_space<vmem>>, vector<16xf32>,
    %broadcast_in_dim3A_65 = arith.constant 0.000000e+00 : f32
    %broadcast_in_dim3A_66 = vector.broadcast %broadcast_in_dim3A_65 : f32 to vector<16xf32>
    %swap3A_67 = arith.constant 48 : index
    %swap3A_68 = tpu.vector_load %arg6[%swap3A_67] {strides = array<i32>} : memref<640xf32, #tpu.memory_space<vmem>>, vector<16xf32>,
    %swap3A_69 = vector.shape_cast %swap3A_68 : vector<16xf32> to vector<16xf32>
    %swap3A_70 = vector.shape_cast %broadcast_in_dim3A_66 : vector<16xf32> to vector<16xf32>
    tpu.vector_store %arg6[%swap3A_67], %swap3A_70 {strides = array<i32>} : memref<640xf32, #tpu.memory_space<vmem>>, vector<16xf32>,
    %broadcast_in_dim3A_71 = arith.constant 0.000000e+00 : f32
    %broadcast_in_dim3A_72 = vector.broadcast %broadcast_in_dim3A_71 : f32 to vector<16xf32>
    %swap3A_73 = arith.constant 64 : index
    %swap3A_74 = tpu.vector_load %arg6[%swap3A_73] {strides = array<i32>} : memref<640xf32, #tpu.memory_space<vmem>>, vector<16xf32>,
    %swap3A_75 = vector.shape_cast %swap3A_74 : vector<16xf32> to vector<16xf32>
    %swap3A_76 = vector.shape_cast %broadcast_in_dim3A_72 : vector<16xf32> to vector<16xf32>
    tpu.vector_store %arg6[%swap3A_73], %swap3A_76 {strides = array<i32>} : memref<640xf32, #tpu.memory_space<vmem>>, vector<16xf32>,
    %broadcast_in_dim3A_77 = arith.constant 0.000000e+00 : f32
    %broadcast_in_dim3A_78 = vector.broadcast %broadcast_in_dim3A_77 : f32 to vector<16xf32>
    %swap3A_79 = arith.constant 80 : index
    %swap3A_80 = tpu.vector_load %arg6[%swap3A_79] {strides = array<i32>} : memref<640xf32, #tpu.memory_space<vmem>>, vector<16xf32>,
    %swap3A_81 = vector.shape_cast %swap3A_80 : vector<16xf32> to vector<16xf32>
    %swap3A_82 = vector.shape_cast %broadcast_in_dim3A_78 : vector<16xf32> to vector<16xf32>
    tpu.vector_store %arg6[%swap3A_79], %swap3A_82 {strides = array<i32>} : memref<640xf32, #tpu.memory_space<vmem>>, vector<16xf32>,
    %broadcast_in_dim3A_83 = arith.constant 0.000000e+00 : f32
    %broadcast_in_dim3A_84 = vector.broadcast %broadcast_in_dim3A_83 : f32 to vector<16xf32>
    %swap3A_85 = arith.constant 96 : index
    %swap3A_86 = tpu.vector_load %arg6[%swap3A_85] {strides = array<i32>} : memref<640xf32, #tpu.memory_space<vmem>>, vector<16xf32>,
    %swap3A_87 = vector.shape_cast %swap3A_86 : vector<16xf32> to vector<16xf32>
    %swap3A_88 = vector.shape_cast %broadcast_in_dim3A_84 : vector<16xf32> to vector<16xf32>
    tpu.vector_store %arg6[%swap3A_85], %swap3A_88 {strides = array<i32>} : memref<640xf32, #tpu.memory_space<vmem>>, vector<16xf32>,
    %broadcast_in_dim3A_89 = arith.constant 0.000000e+00 : f32
    %broadcast_in_dim3A_90 = vector.broadcast %broadcast_in_dim3A_89 : f32 to vector<16xf32>
    %swap3A_91 = arith.constant 112 : index
    %swap3A_92 = tpu.vector_load %arg6[%swap3A_91] {strides = array<i32>} : memref<640xf32, #tpu.memory_space<vmem>>, vector<16xf32>,
    %swap3A_93 = vector.shape_cast %swap3A_92 : vector<16xf32> to vector<16xf32>
    %swap3A_94 = vector.shape_cast %broadcast_in_dim3A_90 : vector<16xf32> to vector<16xf32>
    tpu.vector_store %arg6[%swap3A_91], %swap3A_94 {strides = array<i32>} : memref<640xf32, #tpu.memory_space<vmem>>, vector<16xf32>,
    %broadcast_in_dim3A_95 = arith.constant 0.000000e+00 : f32
    %broadcast_in_dim3A_96 = vector.broadcast %broadcast_in_dim3A_95 : f32 to vector<16xf32>
    %swap3A_97 = arith.constant 128 : index
    %swap3A_98 = tpu.vector_load %arg6[%swap3A_97] {strides = array<i32>} : memref<640xf32, #tpu.memory_space<vmem>>, vector<16xf32>,
    %swap3A_99 = vector.shape_cast %swap3A_98 : vector<16xf32> to vector<16xf32>
    %swap3A_100 = vector.shape_cast %broadcast_in_dim3A_96 : vector<16xf32> to vector<16xf32>
    tpu.vector_store %arg6[%swap3A_97], %swap3A_100 {strides = array<i32>} : memref<640xf32, #tpu.memory_space<vmem>>, vector<16xf32>,
    %broadcast_in_dim3A_101 = arith.constant 0.000000e+00 : f32
    %broadcast_in_dim3A_102 = vector.broadcast %broadcast_in_dim3A_101 : f32 to vector<16xf32>
    %swap3A_103 = arith.constant 144 : index
    %swap3A_104 = tpu.vector_load %arg6[%swap3A_103] {strides = array<i32>} : memref<640xf32, #tpu.memory_space<vmem>>, vector<16xf32>,
    %swap3A_105 = vector.shape_cast %swap3A_104 : vector<16xf32> to vector<16xf32>
    %swap3A_106 = vector.shape_cast %broadcast_in_dim3A_102 : vector<16xf32> to vector<16xf32>
    tpu.vector_store %arg6[%swap3A_103], %swap3A_106 {strides = array<i32>} : memref<640xf32, #tpu.memory_space<vmem>>, vector<16xf32>,
    %broadcast_in_dim3A_107 = arith.constant 0.000000e+00 : f32
    %broadcast_in_dim3A_108 = vector.broadcast %broadcast_in_dim3A_107 : f32 to vector<16xf32>
    %swap3A_109 = arith.constant 160 : index
    %swap3A_110 = tpu.vector_load %arg6[%swap3A_109] {strides = array<i32>} : memref<640xf32, #tpu.memory_space<vmem>>, vector<16xf32>,
    %swap3A_111 = vector.shape_cast %swap3A_110 : vector<16xf32> to vector<16xf32>
    %swap3A_112 = vector.shape_cast %broadcast_in_dim3A_108 : vector<16xf32> to vector<16xf32>
    tpu.vector_store %arg6[%swap3A_109], %swap3A_112 {strides = array<i32>} : memref<640xf32, #tpu.memory_space<vmem>>, vector<16xf32>,
    %broadcast_in_dim3A_113 = arith.constant 0.000000e+00 : f32
    %broadcast_in_dim3A_114 = vector.broadcast %broadcast_in_dim3A_113 : f32 to vector<16xf32>
    %swap3A_115 = arith.constant 176 : index
    %swap3A_116 = tpu.vector_load %arg6[%swap3A_115] {strides = array<i32>} : memref<640xf32, #tpu.memory_space<vmem>>, vector<16xf32>,
    %swap3A_117 = vector.shape_cast %swap3A_116 : vector<16xf32> to vector<16xf32>
    %swap3A_118 = vector.shape_cast %broadcast_in_dim3A_114 : vector<16xf32> to vector<16xf32>
    tpu.vector_store %arg6[%swap3A_115], %swap3A_118 {strides = array<i32>} : memref<640xf32, #tpu.memory_space<vmem>>, vector<16xf32>,
    %broadcast_in_dim3A_119 = arith.constant 0.000000e+00 : f32
    %broadcast_in_dim3A_120 = vector.broadcast %broadcast_in_dim3A_119 : f32 to vector<16xf32>
    %swap3A_121 = arith.constant 192 : index
    %swap3A_122 = tpu.vector_load %arg6[%swap3A_121] {strides = array<i32>} : memref<640xf32, #tpu.memory_space<vmem>>, vector<16xf32>,
    %swap3A_123 = vector.shape_cast %swap3A_122 : vector<16xf32> to vector<16xf32>
    %swap3A_124 = vector.shape_cast %broadcast_in_dim3A_120 : vector<16xf32> to vector<16xf32>
    tpu.vector_store %arg6[%swap3A_121], %swap3A_124 {strides = array<i32>} : memref<640xf32, #tpu.memory_space<vmem>>, vector<16xf32>,
    %broadcast_in_dim3A_125 = arith.constant 0.000000e+00 : f32
    %broadcast_in_dim3A_126 = vector.broadcast %broadcast_in_dim3A_125 : f32 to vector<16xf32>
    %swap3A_127 = arith.constant 208 : index
    %swap3A_128 = tpu.vector_load %arg6[%swap3A_127] {strides = array<i32>} : memref<640xf32, #tpu.memory_space<vmem>>, vector<16xf32>,
    %swap3A_129 = vector.shape_cast %swap3A_128 : vector<16xf32> to vector<16xf32>
    %swap3A_130 = vector.shape_cast %broadcast_in_dim3A_126 : vector<16xf32> to vector<16xf32>
    tpu.vector_store %arg6[%swap3A_127], %swap3A_130 {strides = array<i32>} : memref<640xf32, #tpu.memory_space<vmem>>, vector<16xf32>,
    %broadcast_in_dim3A_131 = arith.constant 0.000000e+00 : f32
    %broadcast_in_dim3A_132 = vector.broadcast %broadcast_in_dim3A_131 : f32 to vector<16xf32>
    %swap3A_133 = arith.constant 224 : index
    %swap3A_134 = tpu.vector_load %arg6[%swap3A_133] {strides = array<i32>} : memref<640xf32, #tpu.memory_space<vmem>>, vector<16xf32>,
    %swap3A_135 = vector.shape_cast %swap3A_134 : vector<16xf32> to vector<16xf32>
    %swap3A_136 = vector.shape_cast %broadcast_in_dim3A_132 : vector<16xf32> to vector<16xf32>
    tpu.vector_store %arg6[%swap3A_133], %swap3A_136 {strides = array<i32>} : memref<640xf32, #tpu.memory_space<vmem>>, vector<16xf32>,
    %broadcast_in_dim3A_137 = arith.constant 0.000000e+00 : f32
    %broadcast_in_dim3A_138 = vector.broadcast %broadcast_in_dim3A_137 : f32 to vector<16xf32>
    %swap3A_139 = arith.constant 240 : index
    %swap3A_140 = tpu.vector_load %arg6[%swap3A_139] {strides = array<i32>} : memref<640xf32, #tpu.memory_space<vmem>>, vector<16xf32>,
    %swap3A_141 = vector.shape_cast %swap3A_140 : vector<16xf32> to vector<16xf32>
    %swap3A_142 = vector.shape_cast %broadcast_in_dim3A_138 : vector<16xf32> to vector<16xf32>
    tpu.vector_store %arg6[%swap3A_139], %swap3A_142 {strides = array<i32>} : memref<640xf32, #tpu.memory_space<vmem>>, vector<16xf32>,
    %broadcast_in_dim3A_143 = arith.constant 0.000000e+00 : f32
    %broadcast_in_dim3A_144 = vector.broadcast %broadcast_in_dim3A_143 : f32 to vector<16xf32>
    %swap3A_145 = arith.constant 256 : index
    %swap3A_146 = tpu.vector_load %arg6[%swap3A_145] {strides = array<i32>} : memref<640xf32, #tpu.memory_space<vmem>>, vector<16xf32>,
    %swap3A_147 = vector.shape_cast %swap3A_146 : vector<16xf32> to vector<16xf32>
    %swap3A_148 = vector.shape_cast %broadcast_in_dim3A_144 : vector<16xf32> to vector<16xf32>
    tpu.vector_store %arg6[%swap3A_145], %swap3A_148 {strides = array<i32>} : memref<640xf32, #tpu.memory_space<vmem>>, vector<16xf32>,
    %broadcast_in_dim3A_149 = arith.constant 0.000000e+00 : f32
    %broadcast_in_dim3A_150 = vector.broadcast %broadcast_in_dim3A_149 : f32 to vector<16xf32>
    %swap3A_151 = arith.constant 272 : index
    %swap3A_152 = tpu.vector_load %arg6[%swap3A_151] {strides = array<i32>} : memref<640xf32, #tpu.memory_space<vmem>>, vector<16xf32>,
    %swap3A_153 = vector.shape_cast %swap3A_152 : vector<16xf32> to vector<16xf32>
    %swap3A_154 = vector.shape_cast %broadcast_in_dim3A_150 : vector<16xf32> to vector<16xf32>
    tpu.vector_store %arg6[%swap3A_151], %swap3A_154 {strides = array<i32>} : memref<640xf32, #tpu.memory_space<vmem>>, vector<16xf32>,
    %broadcast_in_dim3A_155 = arith.constant 0.000000e+00 : f32
    %broadcast_in_dim3A_156 = vector.broadcast %broadcast_in_dim3A_155 : f32 to vector<16xf32>
    %swap3A_157 = arith.constant 288 : index
    %swap3A_158 = tpu.vector_load %arg6[%swap3A_157] {strides = array<i32>} : memref<640xf32, #tpu.memory_space<vmem>>, vector<16xf32>,
    %swap3A_159 = vector.shape_cast %swap3A_158 : vector<16xf32> to vector<16xf32>
    %swap3A_160 = vector.shape_cast %broadcast_in_dim3A_156 : vector<16xf32> to vector<16xf32>
    tpu.vector_store %arg6[%swap3A_157], %swap3A_160 {strides = array<i32>} : memref<640xf32, #tpu.memory_space<vmem>>, vector<16xf32>,
    %broadcast_in_dim3A_161 = arith.constant 0.000000e+00 : f32
    %broadcast_in_dim3A_162 = vector.broadcast %broadcast_in_dim3A_161 : f32 to vector<16xf32>
    %swap3A_163 = arith.constant 304 : index
    %swap3A_164 = tpu.vector_load %arg6[%swap3A_163] {strides = array<i32>} : memref<640xf32, #tpu.memory_space<vmem>>, vector<16xf32>,
    %swap3A_165 = vector.shape_cast %swap3A_164 : vector<16xf32> to vector<16xf32>
    %swap3A_166 = vector.shape_cast %broadcast_in_dim3A_162 : vector<16xf32> to vector<16xf32>
    tpu.vector_store %arg6[%swap3A_163], %swap3A_166 {strides = array<i32>} : memref<640xf32, #tpu.memory_space<vmem>>, vector<16xf32>,
    %broadcast_in_dim3A_167 = arith.constant 0.000000e+00 : f32
    %broadcast_in_dim3A_168 = vector.broadcast %broadcast_in_dim3A_167 : f32 to vector<16xf32>
    %swap3A_169 = arith.constant 320 : index
    %swap3A_170 = tpu.vector_load %arg6[%swap3A_169] {strides = array<i32>} : memref<640xf32, #tpu.memory_space<vmem>>, vector<16xf32>,
    %swap3A_171 = vector.shape_cast %swap3A_170 : vector<16xf32> to vector<16xf32>
    %swap3A_172 = vector.shape_cast %broadcast_in_dim3A_168 : vector<16xf32> to vector<16xf32>
    tpu.vector_store %arg6[%swap3A_169], %swap3A_172 {strides = array<i32>} : memref<640xf32, #tpu.memory_space<vmem>>, vector<16xf32>,
    %broadcast_in_dim3A_173 = arith.constant 0.000000e+00 : f32
    %broadcast_in_dim3A_174 = vector.broadcast %broadcast_in_dim3A_173 : f32 to vector<16xf32>
    %swap3A_175 = arith.constant 336 : index
    %swap3A_176 = tpu.vector_load %arg6[%swap3A_175] {strides = array<i32>} : memref<640xf32, #tpu.memory_space<vmem>>, vector<16xf32>,
    %swap3A_177 = vector.shape_cast %swap3A_176 : vector<16xf32> to vector<16xf32>
    %swap3A_178 = vector.shape_cast %broadcast_in_dim3A_174 : vector<16xf32> to vector<16xf32>
    tpu.vector_store %arg6[%swap3A_175], %swap3A_178 {strides = array<i32>} : memref<640xf32, #tpu.memory_space<vmem>>, vector<16xf32>,
    %broadcast_in_dim3A_179 = arith.constant 0.000000e+00 : f32
    %broadcast_in_dim3A_180 = vector.broadcast %broadcast_in_dim3A_179 : f32 to vector<16xf32>
    %swap3A_181 = arith.constant 352 : index
    %swap3A_182 = tpu.vector_load %arg6[%swap3A_181] {strides = array<i32>} : memref<640xf32, #tpu.memory_space<vmem>>, vector<16xf32>,
    %swap3A_183 = vector.shape_cast %swap3A_182 : vector<16xf32> to vector<16xf32>
    %swap3A_184 = vector.shape_cast %broadcast_in_dim3A_180 : vector<16xf32> to vector<16xf32>
    tpu.vector_store %arg6[%swap3A_181], %swap3A_184 {strides = array<i32>} : memref<640xf32, #tpu.memory_space<vmem>>, vector<16xf32>,
    %broadcast_in_dim3A_185 = arith.constant 0.000000e+00 : f32
    %broadcast_in_dim3A_186 = vector.broadcast %broadcast_in_dim3A_185 : f32 to vector<16xf32>
    %swap3A_187 = arith.constant 368 : index
    %swap3A_188 = tpu.vector_load %arg6[%swap3A_187] {strides = array<i32>} : memref<640xf32, #tpu.memory_space<vmem>>, vector<16xf32>,
    %swap3A_189 = vector.shape_cast %swap3A_188 : vector<16xf32> to vector<16xf32>
    %swap3A_190 = vector.shape_cast %broadcast_in_dim3A_186 : vector<16xf32> to vector<16xf32>
    tpu.vector_store %arg6[%swap3A_187], %swap3A_190 {strides = array<i32>} : memref<640xf32, #tpu.memory_space<vmem>>, vector<16xf32>,
    %broadcast_in_dim3A_191 = arith.constant 0.000000e+00 : f32
    %broadcast_in_dim3A_192 = vector.broadcast %broadcast_in_dim3A_191 : f32 to vector<16xf32>
    %swap3A_193 = arith.constant 384 : index
    %swap3A_194 = tpu.vector_load %arg6[%swap3A_193] {strides = array<i32>} : memref<640xf32, #tpu.memory_space<vmem>>, vector<16xf32>,
    %swap3A_195 = vector.shape_cast %swap3A_194 : vector<16xf32> to vector<16xf32>
    %swap3A_196 = vector.shape_cast %broadcast_in_dim3A_192 : vector<16xf32> to vector<16xf32>
    tpu.vector_store %arg6[%swap3A_193], %swap3A_196 {strides = array<i32>} : memref<640xf32, #tpu.memory_space<vmem>>, vector<16xf32>,
    %broadcast_in_dim3A_197 = arith.constant 0.000000e+00 : f32
    %broadcast_in_dim3A_198 = vector.broadcast %broadcast_in_dim3A_197 : f32 to vector<16xf32>
    %swap3A_199 = arith.constant 400 : index
    %swap3A_200 = tpu.vector_load %arg6[%swap3A_199] {strides = array<i32>} : memref<640xf32, #tpu.memory_space<vmem>>, vector<16xf32>,
    %swap3A_201 = vector.shape_cast %swap3A_200 : vector<16xf32> to vector<16xf32>
    %swap3A_202 = vector.shape_cast %broadcast_in_dim3A_198 : vector<16xf32> to vector<16xf32>
    tpu.vector_store %arg6[%swap3A_199], %swap3A_202 {strides = array<i32>} : memref<640xf32, #tpu.memory_space<vmem>>, vector<16xf32>,
    %broadcast_in_dim3A_203 = arith.constant 0.000000e+00 : f32
    %broadcast_in_dim3A_204 = vector.broadcast %broadcast_in_dim3A_203 : f32 to vector<16xf32>
    %swap3A_205 = arith.constant 416 : index
    %swap3A_206 = tpu.vector_load %arg6[%swap3A_205] {strides = array<i32>} : memref<640xf32, #tpu.memory_space<vmem>>, vector<16xf32>,
    %swap3A_207 = vector.shape_cast %swap3A_206 : vector<16xf32> to vector<16xf32>
    %swap3A_208 = vector.shape_cast %broadcast_in_dim3A_204 : vector<16xf32> to vector<16xf32>
    tpu.vector_store %arg6[%swap3A_205], %swap3A_208 {strides = array<i32>} : memref<640xf32, #tpu.memory_space<vmem>>, vector<16xf32>,
    %broadcast_in_dim3A_209 = arith.constant 0.000000e+00 : f32
    %broadcast_in_dim3A_210 = vector.broadcast %broadcast_in_dim3A_209 : f32 to vector<16xf32>
    %swap3A_211 = arith.constant 432 : index
    %swap3A_212 = tpu.vector_load %arg6[%swap3A_211] {strides = array<i32>} : memref<640xf32, #tpu.memory_space<vmem>>, vector<16xf32>,
    %swap3A_213 = vector.shape_cast %swap3A_212 : vector<16xf32> to vector<16xf32>
    %swap3A_214 = vector.shape_cast %broadcast_in_dim3A_210 : vector<16xf32> to vector<16xf32>
    tpu.vector_store %arg6[%swap3A_211], %swap3A_214 {strides = array<i32>} : memref<640xf32, #tpu.memory_space<vmem>>, vector<16xf32>,
    %broadcast_in_dim3A_215 = arith.constant 0.000000e+00 : f32
    %broadcast_in_dim3A_216 = vector.broadcast %broadcast_in_dim3A_215 : f32 to vector<16xf32>
    %swap3A_217 = arith.constant 448 : index
    %swap3A_218 = tpu.vector_load %arg6[%swap3A_217] {strides = array<i32>} : memref<640xf32, #tpu.memory_space<vmem>>, vector<16xf32>,
    %swap3A_219 = vector.shape_cast %swap3A_218 : vector<16xf32> to vector<16xf32>
    %swap3A_220 = vector.shape_cast %broadcast_in_dim3A_216 : vector<16xf32> to vector<16xf32>
    tpu.vector_store %arg6[%swap3A_217], %swap3A_220 {strides = array<i32>} : memref<640xf32, #tpu.memory_space<vmem>>, vector<16xf32>,
    %broadcast_in_dim3A_221 = arith.constant 0.000000e+00 : f32
    %broadcast_in_dim3A_222 = vector.broadcast %broadcast_in_dim3A_221 : f32 to vector<16xf32>
    %swap3A_223 = arith.constant 464 : index
    %swap3A_224 = tpu.vector_load %arg6[%swap3A_223] {strides = array<i32>} : memref<640xf32, #tpu.memory_space<vmem>>, vector<16xf32>,
    %swap3A_225 = vector.shape_cast %swap3A_224 : vector<16xf32> to vector<16xf32>
    %swap3A_226 = vector.shape_cast %broadcast_in_dim3A_222 : vector<16xf32> to vector<16xf32>
    tpu.vector_store %arg6[%swap3A_223], %swap3A_226 {strides = array<i32>} : memref<640xf32, #tpu.memory_space<vmem>>, vector<16xf32>,
    %broadcast_in_dim3A_227 = arith.constant 0.000000e+00 : f32
    %broadcast_in_dim3A_228 = vector.broadcast %broadcast_in_dim3A_227 : f32 to vector<16xf32>
    %swap3A_229 = arith.constant 480 : index
    %swap3A_230 = tpu.vector_load %arg6[%swap3A_229] {strides = array<i32>} : memref<640xf32, #tpu.memory_space<vmem>>, vector<16xf32>,
    %swap3A_231 = vector.shape_cast %swap3A_230 : vector<16xf32> to vector<16xf32>
    %swap3A_232 = vector.shape_cast %broadcast_in_dim3A_228 : vector<16xf32> to vector<16xf32>
    tpu.vector_store %arg6[%swap3A_229], %swap3A_232 {strides = array<i32>} : memref<640xf32, #tpu.memory_space<vmem>>, vector<16xf32>,
    %broadcast_in_dim3A_233 = arith.constant 0.000000e+00 : f32
    %broadcast_in_dim3A_234 = vector.broadcast %broadcast_in_dim3A_233 : f32 to vector<16xf32>
    %swap3A_235 = arith.constant 496 : index
    %swap3A_236 = tpu.vector_load %arg6[%swap3A_235] {strides = array<i32>} : memref<640xf32, #tpu.memory_space<vmem>>, vector<16xf32>,
    %swap3A_237 = vector.shape_cast %swap3A_236 : vector<16xf32> to vector<16xf32>
    %swap3A_238 = vector.shape_cast %broadcast_in_dim3A_234 : vector<16xf32> to vector<16xf32>
    tpu.vector_store %arg6[%swap3A_235], %swap3A_238 {strides = array<i32>} : memref<640xf32, #tpu.memory_space<vmem>>, vector<16xf32>,
    %broadcast_in_dim3A_239 = arith.constant 0.000000e+00 : f32
    %broadcast_in_dim3A_240 = vector.broadcast %broadcast_in_dim3A_239 : f32 to vector<16xf32>
    %swap3A_241 = arith.constant 512 : index
    %swap3A_242 = tpu.vector_load %arg6[%swap3A_241] {strides = array<i32>} : memref<640xf32, #tpu.memory_space<vmem>>, vector<16xf32>,
    %swap3A_243 = vector.shape_cast %swap3A_242 : vector<16xf32> to vector<16xf32>
    %swap3A_244 = vector.shape_cast %broadcast_in_dim3A_240 : vector<16xf32> to vector<16xf32>
    tpu.vector_store %arg6[%swap3A_241], %swap3A_244 {strides = array<i32>} : memref<640xf32, #tpu.memory_space<vmem>>, vector<16xf32>,
    %broadcast_in_dim3A_245 = arith.constant 0.000000e+00 : f32
    %broadcast_in_dim3A_246 = vector.broadcast %broadcast_in_dim3A_245 : f32 to vector<16xf32>
    %swap3A_247 = arith.constant 528 : index
    %swap3A_248 = tpu.vector_load %arg6[%swap3A_247] {strides = array<i32>} : memref<640xf32, #tpu.memory_space<vmem>>, vector<16xf32>,
    %swap3A_249 = vector.shape_cast %swap3A_248 : vector<16xf32> to vector<16xf32>
    %swap3A_250 = vector.shape_cast %broadcast_in_dim3A_246 : vector<16xf32> to vector<16xf32>
    tpu.vector_store %arg6[%swap3A_247], %swap3A_250 {strides = array<i32>} : memref<640xf32, #tpu.memory_space<vmem>>, vector<16xf32>,
    %broadcast_in_dim3A_251 = arith.constant 0.000000e+00 : f32
    %broadcast_in_dim3A_252 = vector.broadcast %broadcast_in_dim3A_251 : f32 to vector<16xf32>
    %swap3A_253 = arith.constant 544 : index
    %swap3A_254 = tpu.vector_load %arg6[%swap3A_253] {strides = array<i32>} : memref<640xf32, #tpu.memory_space<vmem>>, vector<16xf32>,
    %swap3A_255 = vector.shape_cast %swap3A_254 : vector<16xf32> to vector<16xf32>
    %swap3A_256 = vector.shape_cast %broadcast_in_dim3A_252 : vector<16xf32> to vector<16xf32>
    tpu.vector_store %arg6[%swap3A_253], %swap3A_256 {strides = array<i32>} : memref<640xf32, #tpu.memory_space<vmem>>, vector<16xf32>,
    %broadcast_in_dim3A_257 = arith.constant 0.000000e+00 : f32
    %broadcast_in_dim3A_258 = vector.broadcast %broadcast_in_dim3A_257 : f32 to vector<16xf32>
    %swap3A_259 = arith.constant 560 : index
    %swap3A_260 = tpu.vector_load %arg6[%swap3A_259] {strides = array<i32>} : memref<640xf32, #tpu.memory_space<vmem>>, vector<16xf32>,
    %swap3A_261 = vector.shape_cast %swap3A_260 : vector<16xf32> to vector<16xf32>
    %swap3A_262 = vector.shape_cast %broadcast_in_dim3A_258 : vector<16xf32> to vector<16xf32>
    tpu.vector_store %arg6[%swap3A_259], %swap3A_262 {strides = array<i32>} : memref<640xf32, #tpu.memory_space<vmem>>, vector<16xf32>,
    %broadcast_in_dim3A_263 = arith.constant 0.000000e+00 : f32
    %broadcast_in_dim3A_264 = vector.broadcast %broadcast_in_dim3A_263 : f32 to vector<16xf32>
    %swap3A_265 = arith.constant 576 : index
    %swap3A_266 = tpu.vector_load %arg6[%swap3A_265] {strides = array<i32>} : memref<640xf32, #tpu.memory_space<vmem>>, vector<16xf32>,
    %swap3A_267 = vector.shape_cast %swap3A_266 : vector<16xf32> to vector<16xf32>
    %swap3A_268 = vector.shape_cast %broadcast_in_dim3A_264 : vector<16xf32> to vector<16xf32>
    tpu.vector_store %arg6[%swap3A_265], %swap3A_268 {strides = array<i32>} : memref<640xf32, #tpu.memory_space<vmem>>, vector<16xf32>,
    %broadcast_in_dim3A_269 = arith.constant 0.000000e+00 : f32
    %broadcast_in_dim3A_270 = vector.broadcast %broadcast_in_dim3A_269 : f32 to vector<16xf32>
    %swap3A_271 = arith.constant 592 : index
    %swap3A_272 = tpu.vector_load %arg6[%swap3A_271] {strides = array<i32>} : memref<640xf32, #tpu.memory_space<vmem>>, vector<16xf32>,
    %swap3A_273 = vector.shape_cast %swap3A_272 : vector<16xf32> to vector<16xf32>
    %swap3A_274 = vector.shape_cast %broadcast_in_dim3A_270 : vector<16xf32> to vector<16xf32>
    tpu.vector_store %arg6[%swap3A_271], %swap3A_274 {strides = array<i32>} : memref<640xf32, #tpu.memory_space<vmem>>, vector<16xf32>,
    %broadcast_in_dim3A_275 = arith.constant 0.000000e+00 : f32
    %broadcast_in_dim3A_276 = vector.broadcast %broadcast_in_dim3A_275 : f32 to vector<16xf32>
    %swap3A_277 = arith.constant 608 : index
    %swap3A_278 = tpu.vector_load %arg6[%swap3A_277] {strides = array<i32>} : memref<640xf32, #tpu.memory_space<vmem>>, vector<16xf32>,
    %swap3A_279 = vector.shape_cast %swap3A_278 : vector<16xf32> to vector<16xf32>
    %swap3A_280 = vector.shape_cast %broadcast_in_dim3A_276 : vector<16xf32> to vector<16xf32>
    tpu.vector_store %arg6[%swap3A_277], %swap3A_280 {strides = array<i32>} : memref<640xf32, #tpu.memory_space<vmem>>, vector<16xf32>,
    %broadcast_in_dim3A_281 = arith.constant 0.000000e+00 : f32
    %broadcast_in_dim3A_282 = vector.broadcast %broadcast_in_dim3A_281 : f32 to vector<16xf32>
    %swap3A_283 = arith.constant 624 : index
    %swap3A_284 = tpu.vector_load %arg6[%swap3A_283] {strides = array<i32>} : memref<640xf32, #tpu.memory_space<vmem>>, vector<16xf32>,
    %swap3A_285 = vector.shape_cast %swap3A_284 : vector<16xf32> to vector<16xf32>
    %swap3A_286 = vector.shape_cast %broadcast_in_dim3A_282 : vector<16xf32> to vector<16xf32>
    tpu.vector_store %arg6[%swap3A_283], %swap3A_286 {strides = array<i32>} : memref<640xf32, #tpu.memory_space<vmem>>, vector<16xf32>,
    %mul3A_287 = arith.constant 640 : i32
    %mul3A_288 = arith.muli %arg1, %mul3A_287 : i32
    "tpu.region"() ({
      %run_scoped3A = tpu.sem_alloc : memref<!tpu.dma_semaphore, #tpu.memory_space<semaphore_mem>>
      %dma_start3A = tpu.memref_slice %arg7[%mul3A_288] : memref<10240xf32, #tpu.memory_space<vmem_shared>> -> memref<640xf32, #tpu.memory_space<vmem_shared>>
      %dma_start3A_299 = tpu.memref_slice %arg7[%mul3A_288] : memref<10240xf32, #tpu.memory_space<vmem_shared>> -> memref<640xf32, #tpu.memory_space<vmem_shared>>
      tpu.enqueue_dma source(%arg6 : memref<640xf32, #tpu.memory_space<vmem>>) target(%dma_start3A_299 : memref<640xf32, #tpu.memory_space<vmem_shared>>) target_semaphore(%run_scoped3A : memref<!tpu.dma_semaphore, #tpu.memory_space<semaphore_mem>>)
      %dma_wait3A = tpu.memref_slice %arg7[%mul3A_288] : memref<10240xf32, #tpu.memory_space<vmem_shared>> -> memref<640xf32, #tpu.memory_space<vmem_shared>>
      %dma_wait3A_300 = tpu.memref_slice %arg7[%mul3A_288] : memref<10240xf32, #tpu.memory_space<vmem_shared>> -> memref<640xf32, #tpu.memory_space<vmem_shared>>
      tpu.wait_dma2 semaphore(%run_scoped3A : memref<!tpu.dma_semaphore, #tpu.memory_space<semaphore_mem>>) src(%arg6 : memref<640xf32, #tpu.memory_space<vmem>>) dst(%dma_wait3A_300 : memref<640xf32, #tpu.memory_space<vmem_shared>>)
      tpu.yield
    }) : () -> ()
    %barrier3A = arith.constant 0 : index
    tpu.barrier barrier_id(%barrier3A)
    %scan3A = arith.constant 0 : i32
    %scan3A_289 = arith.constant 0 : i32
    %scan3A_290 = arith.constant 25 : i32
    %scan3A_291 = arith.addi %scan3A_289, %scan3A_290 : i32
    %scan3A_292 = arith.constant 1 : i32
    scf.for %scan3A_299 = %scan3A_289 to %scan3A_291 step %scan3A_292  : i32 {
      %mul3A_300 = arith.constant 5 : i32
      %mul3A_301 = arith.muli %scan3A_299, %mul3A_300 : i32
      %add3A_302 = arith.constant 0 : i32
      %add3A_303 = arith.addi %mul3A_301, %add3A_302 : i32
      %dma_start3A = arith.constant 0 : i32
      %dma_start3A_304 = tpu.memref_slice %arg5[%dma_start3A] : memref<128xf32, #tpu.memory_space<vmem>> -> memref<80xf32, #tpu.memory_space<vmem>>
      %dma_start3A_305 = arith.constant 0 : i32
      %dma_start3A_306 = tpu.memref_slice %arg4[%add3A_303, %dma_start3A_305] : memref<125x80xi32, #tpu.memory_space<vmem>> -> memref<1x80xi32, #tpu.memory_space<vmem>>
      %dma_start3A_307 = tpu.memref_squeeze %dma_start3A_306 : memref<1x80xi32, #tpu.memory_space<vmem>> -> memref<80xi32, #tpu.memory_space<vmem>>
      %dma_start3A_308 = arith.constant 0 : i32
      %dma_start3A_309 = tpu.memref_slice %arg7[%dma_start3A_308] : memref<10240xf32, #tpu.memory_space<vmem_shared>> -> memref<10240xf32, #tpu.memory_space<vmem_shared>>
      tpu.enqueue_indirect_dma source(%dma_start3A_304 : memref<80xf32, #tpu.memory_space<vmem>>) target(%dma_start3A_309 : memref<10240xf32, #tpu.memory_space<vmem_shared>>) offsets(%dma_start3A_307 : memref<80xi32, #tpu.memory_space<vmem>>) semaphore(%arg8 : memref<!tpu.dma_semaphore, #tpu.memory_space<semaphore_mem>>) {add = true}
      %mul3A_310 = arith.constant 5 : i32
      %mul3A_311 = arith.muli %scan3A_299, %mul3A_310 : i32
      %add3A_312 = arith.constant 1 : i32
      %add3A_313 = arith.addi %mul3A_311, %add3A_312 : i32
      %dma_start3A_314 = arith.constant 0 : i32
      %dma_start3A_315 = tpu.memref_slice %arg5[%dma_start3A_314] : memref<128xf32, #tpu.memory_space<vmem>> -> memref<80xf32, #tpu.memory_space<vmem>>
      %dma_start3A_316 = arith.constant 0 : i32
      %dma_start3A_317 = tpu.memref_slice %arg4[%add3A_313, %dma_start3A_316] : memref<125x80xi32, #tpu.memory_space<vmem>> -> memref<1x80xi32, #tpu.memory_space<vmem>>
      %dma_start3A_318 = tpu.memref_squeeze %dma_start3A_317 : memref<1x80xi32, #tpu.memory_space<vmem>> -> memref<80xi32, #tpu.memory_space<vmem>>
      %dma_start3A_319 = arith.constant 0 : i32
      %dma_start3A_320 = tpu.memref_slice %arg7[%dma_start3A_319] : memref<10240xf32, #tpu.memory_space<vmem_shared>> -> memref<10240xf32, #tpu.memory_space<vmem_shared>>
      tpu.enqueue_indirect_dma source(%dma_start3A_315 : memref<80xf32, #tpu.memory_space<vmem>>) target(%dma_start3A_320 : memref<10240xf32, #tpu.memory_space<vmem_shared>>) offsets(%dma_start3A_318 : memref<80xi32, #tpu.memory_space<vmem>>) semaphore(%arg8 : memref<!tpu.dma_semaphore, #tpu.memory_space<semaphore_mem>>) {add = true}
      %mul3A_321 = arith.constant 5 : i32
      %mul3A_322 = arith.muli %scan3A_299, %mul3A_321 : i32
      %add3A_323 = arith.constant 2 : i32
      %add3A_324 = arith.addi %mul3A_322, %add3A_323 : i32
      %dma_start3A_325 = arith.constant 0 : i32
      %dma_start3A_326 = tpu.memref_slice %arg5[%dma_start3A_325] : memref<128xf32, #tpu.memory_space<vmem>> -> memref<80xf32, #tpu.memory_space<vmem>>
      %dma_start3A_327 = arith.constant 0 : i32
      %dma_start3A_328 = tpu.memref_slice %arg4[%add3A_324, %dma_start3A_327] : memref<125x80xi32, #tpu.memory_space<vmem>> -> memref<1x80xi32, #tpu.memory_space<vmem>>
      %dma_start3A_329 = tpu.memref_squeeze %dma_start3A_328 : memref<1x80xi32, #tpu.memory_space<vmem>> -> memref<80xi32, #tpu.memory_space<vmem>>
      %dma_start3A_330 = arith.constant 0 : i32
      %dma_start3A_331 = tpu.memref_slice %arg7[%dma_start3A_330] : memref<10240xf32, #tpu.memory_space<vmem_shared>> -> memref<10240xf32, #tpu.memory_space<vmem_shared>>
      tpu.enqueue_indirect_dma source(%dma_start3A_326 : memref<80xf32, #tpu.memory_space<vmem>>) target(%dma_start3A_331 : memref<10240xf32, #tpu.memory_space<vmem_shared>>) offsets(%dma_start3A_329 : memref<80xi32, #tpu.memory_space<vmem>>) semaphore(%arg8 : memref<!tpu.dma_semaphore, #tpu.memory_space<semaphore_mem>>) {add = true}
      %mul3A_332 = arith.constant 5 : i32
      %mul3A_333 = arith.muli %scan3A_299, %mul3A_332 : i32
      %add3A_334 = arith.constant 3 : i32
      %add3A_335 = arith.addi %mul3A_333, %add3A_334 : i32
      %dma_start3A_336 = arith.constant 0 : i32
      %dma_start3A_337 = tpu.memref_slice %arg5[%dma_start3A_336] : memref<128xf32, #tpu.memory_space<vmem>> -> memref<80xf32, #tpu.memory_space<vmem>>
      %dma_start3A_338 = arith.constant 0 : i32
      %dma_start3A_339 = tpu.memref_slice %arg4[%add3A_335, %dma_start3A_338] : memref<125x80xi32, #tpu.memory_space<vmem>> -> memref<1x80xi32, #tpu.memory_space<vmem>>
      %dma_start3A_340 = tpu.memref_squeeze %dma_start3A_339 : memref<1x80xi32, #tpu.memory_space<vmem>> -> memref<80xi32, #tpu.memory_space<vmem>>
      %dma_start3A_341 = arith.constant 0 : i32
      %dma_start3A_342 = tpu.memref_slice %arg7[%dma_start3A_341] : memref<10240xf32, #tpu.memory_space<vmem_shared>> -> memref<10240xf32, #tpu.memory_space<vmem_shared>>
      tpu.enqueue_indirect_dma source(%dma_start3A_337 : memref<80xf32, #tpu.memory_space<vmem>>) target(%dma_start3A_342 : memref<10240xf32, #tpu.memory_space<vmem_shared>>) offsets(%dma_start3A_340 : memref<80xi32, #tpu.memory_space<vmem>>) semaphore(%arg8 : memref<!tpu.dma_semaphore, #tpu.memory_space<semaphore_mem>>) {add = true}
      %mul3A_343 = arith.constant 5 : i32
      %mul3A_344 = arith.muli %scan3A_299, %mul3A_343 : i32
      %add3A_345 = arith.constant 4 : i32
      %add3A_346 = arith.addi %mul3A_344, %add3A_345 : i32
      %dma_start3A_347 = arith.constant 0 : i32
      %dma_start3A_348 = tpu.memref_slice %arg5[%dma_start3A_347] : memref<128xf32, #tpu.memory_space<vmem>> -> memref<80xf32, #tpu.memory_space<vmem>>
      %dma_start3A_349 = arith.constant 0 : i32
      %dma_start3A_350 = tpu.memref_slice %arg4[%add3A_346, %dma_start3A_349] : memref<125x80xi32, #tpu.memory_space<vmem>> -> memref<1x80xi32, #tpu.memory_space<vmem>>
      %dma_start3A_351 = tpu.memref_squeeze %dma_start3A_350 : memref<1x80xi32, #tpu.memory_space<vmem>> -> memref<80xi32, #tpu.memory_space<vmem>>
      %dma_start3A_352 = arith.constant 0 : i32
      %dma_start3A_353 = tpu.memref_slice %arg7[%dma_start3A_352] : memref<10240xf32, #tpu.memory_space<vmem_shared>> -> memref<10240xf32, #tpu.memory_space<vmem_shared>>
      tpu.enqueue_indirect_dma source(%dma_start3A_348 : memref<80xf32, #tpu.memory_space<vmem>>) target(%dma_start3A_353 : memref<10240xf32, #tpu.memory_space<vmem_shared>>) offsets(%dma_start3A_351 : memref<80xi32, #tpu.memory_space<vmem>>) semaphore(%arg8 : memref<!tpu.dma_semaphore, #tpu.memory_space<semaphore_mem>>) {add = true}
      %mul3A_354 = arith.constant 5 : i32
      %mul3A_355 = arith.muli %scan3A_299, %mul3A_354 : i32
      %add3A_356 = arith.constant 0 : i32
      %add3A_357 = arith.addi %mul3A_355, %add3A_356 : i32
      %dma_wait3A = arith.constant 0 : i32
      %dma_wait3A_358 = tpu.memref_slice %arg5[%dma_wait3A] : memref<128xf32, #tpu.memory_space<vmem>> -> memref<80xf32, #tpu.memory_space<vmem>>
      %dma_wait3A_359 = arith.constant 0 : i32
      %dma_wait3A_360 = tpu.memref_slice %arg4[%add3A_357, %dma_wait3A_359] : memref<125x80xi32, #tpu.memory_space<vmem>> -> memref<1x80xi32, #tpu.memory_space<vmem>>
      %dma_wait3A_361 = tpu.memref_squeeze %dma_wait3A_360 : memref<1x80xi32, #tpu.memory_space<vmem>> -> memref<80xi32, #tpu.memory_space<vmem>>
      %dma_wait3A_362 = arith.constant 0 : i32
      %dma_wait3A_363 = tpu.memref_slice %arg7[%dma_wait3A_362] : memref<10240xf32, #tpu.memory_space<vmem_shared>> -> memref<10240xf32, #tpu.memory_space<vmem_shared>>
      tpu.wait_indirect_dma semaphore(%arg8 : memref<!tpu.dma_semaphore, #tpu.memory_space<semaphore_mem>>) src(%dma_wait3A_358 : memref<80xf32, #tpu.memory_space<vmem>>) dst(%dma_wait3A_363 : memref<10240xf32, #tpu.memory_space<vmem_shared>>)
      %mul3A_364 = arith.constant 5 : i32
      %mul3A_365 = arith.muli %scan3A_299, %mul3A_364 : i32
      %add3A_366 = arith.constant 1 : i32
      %add3A_367 = arith.addi %mul3A_365, %add3A_366 : i32
      %dma_wait3A_368 = arith.constant 0 : i32
      %dma_wait3A_369 = tpu.memref_slice %arg5[%dma_wait3A_368] : memref<128xf32, #tpu.memory_space<vmem>> -> memref<80xf32, #tpu.memory_space<vmem>>
      %dma_wait3A_370 = arith.constant 0 : i32
      %dma_wait3A_371 = tpu.memref_slice %arg4[%add3A_367, %dma_wait3A_370] : memref<125x80xi32, #tpu.memory_space<vmem>> -> memref<1x80xi32, #tpu.memory_space<vmem>>
      %dma_wait3A_372 = tpu.memref_squeeze %dma_wait3A_371 : memref<1x80xi32, #tpu.memory_space<vmem>> -> memref<80xi32, #tpu.memory_space<vmem>>
      %dma_wait3A_373 = arith.constant 0 : i32
      %dma_wait3A_374 = tpu.memref_slice %arg7[%dma_wait3A_373] : memref<10240xf32, #tpu.memory_space<vmem_shared>> -> memref<10240xf32, #tpu.memory_space<vmem_shared>>
      tpu.wait_indirect_dma semaphore(%arg8 : memref<!tpu.dma_semaphore, #tpu.memory_space<semaphore_mem>>) src(%dma_wait3A_369 : memref<80xf32, #tpu.memory_space<vmem>>) dst(%dma_wait3A_374 : memref<10240xf32, #tpu.memory_space<vmem_shared>>)
      %mul3A_375 = arith.constant 5 : i32
      %mul3A_376 = arith.muli %scan3A_299, %mul3A_375 : i32
      %add3A_377 = arith.constant 2 : i32
      %add3A_378 = arith.addi %mul3A_376, %add3A_377 : i32
      %dma_wait3A_379 = arith.constant 0 : i32
      %dma_wait3A_380 = tpu.memref_slice %arg5[%dma_wait3A_379] : memref<128xf32, #tpu.memory_space<vmem>> -> memref<80xf32, #tpu.memory_space<vmem>>
      %dma_wait3A_381 = arith.constant 0 : i32
      %dma_wait3A_382 = tpu.memref_slice %arg4[%add3A_378, %dma_wait3A_381] : memref<125x80xi32, #tpu.memory_space<vmem>> -> memref<1x80xi32, #tpu.memory_space<vmem>>
      %dma_wait3A_383 = tpu.memref_squeeze %dma_wait3A_382 : memref<1x80xi32, #tpu.memory_space<vmem>> -> memref<80xi32, #tpu.memory_space<vmem>>
      %dma_wait3A_384 = arith.constant 0 : i32
      %dma_wait3A_385 = tpu.memref_slice %arg7[%dma_wait3A_384] : memref<10240xf32, #tpu.memory_space<vmem_shared>> -> memref<10240xf32, #tpu.memory_space<vmem_shared>>
      tpu.wait_indirect_dma semaphore(%arg8 : memref<!tpu.dma_semaphore, #tpu.memory_space<semaphore_mem>>) src(%dma_wait3A_380 : memref<80xf32, #tpu.memory_space<vmem>>) dst(%dma_wait3A_385 : memref<10240xf32, #tpu.memory_space<vmem_shared>>)
      %mul3A_386 = arith.constant 5 : i32
      %mul3A_387 = arith.muli %scan3A_299, %mul3A_386 : i32
      %add3A_388 = arith.constant 3 : i32
      %add3A_389 = arith.addi %mul3A_387, %add3A_388 : i32
      %dma_wait3A_390 = arith.constant 0 : i32
      %dma_wait3A_391 = tpu.memref_slice %arg5[%dma_wait3A_390] : memref<128xf32, #tpu.memory_space<vmem>> -> memref<80xf32, #tpu.memory_space<vmem>>
      %dma_wait3A_392 = arith.constant 0 : i32
      %dma_wait3A_393 = tpu.memref_slice %arg4[%add3A_389, %dma_wait3A_392] : memref<125x80xi32, #tpu.memory_space<vmem>> -> memref<1x80xi32, #tpu.memory_space<vmem>>
      %dma_wait3A_394 = tpu.memref_squeeze %dma_wait3A_393 : memref<1x80xi32, #tpu.memory_space<vmem>> -> memref<80xi32, #tpu.memory_space<vmem>>
      %dma_wait3A_395 = arith.constant 0 : i32
      %dma_wait3A_396 = tpu.memref_slice %arg7[%dma_wait3A_395] : memref<10240xf32, #tpu.memory_space<vmem_shared>> -> memref<10240xf32, #tpu.memory_space<vmem_shared>>
      tpu.wait_indirect_dma semaphore(%arg8 : memref<!tpu.dma_semaphore, #tpu.memory_space<semaphore_mem>>) src(%dma_wait3A_391 : memref<80xf32, #tpu.memory_space<vmem>>) dst(%dma_wait3A_396 : memref<10240xf32, #tpu.memory_space<vmem_shared>>)
      %mul3A_397 = arith.constant 5 : i32
      %mul3A_398 = arith.muli %scan3A_299, %mul3A_397 : i32
      %add3A_399 = arith.constant 4 : i32
      %add3A_400 = arith.addi %mul3A_398, %add3A_399 : i32
      %dma_wait3A_401 = arith.constant 0 : i32
      %dma_wait3A_402 = tpu.memref_slice %arg5[%dma_wait3A_401] : memref<128xf32, #tpu.memory_space<vmem>> -> memref<80xf32, #tpu.memory_space<vmem>>
      %dma_wait3A_403 = arith.constant 0 : i32
      %dma_wait3A_404 = tpu.memref_slice %arg4[%add3A_400, %dma_wait3A_403] : memref<125x80xi32, #tpu.memory_space<vmem>> -> memref<1x80xi32, #tpu.memory_space<vmem>>
      %dma_wait3A_405 = tpu.memref_squeeze %dma_wait3A_404 : memref<1x80xi32, #tpu.memory_space<vmem>> -> memref<80xi32, #tpu.memory_space<vmem>>
      %dma_wait3A_406 = arith.constant 0 : i32
      %dma_wait3A_407 = tpu.memref_slice %arg7[%dma_wait3A_406] : memref<10240xf32, #tpu.memory_space<vmem_shared>> -> memref<10240xf32, #tpu.memory_space<vmem_shared>>
      tpu.wait_indirect_dma semaphore(%arg8 : memref<!tpu.dma_semaphore, #tpu.memory_space<semaphore_mem>>) src(%dma_wait3A_402 : memref<80xf32, #tpu.memory_space<vmem>>) dst(%dma_wait3A_407 : memref<10240xf32, #tpu.memory_space<vmem_shared>>)
    }
    %scan3A_293 = arith.constant 25 : i32
    %barrier3A_294 = arith.constant 0 : index
    tpu.barrier barrier_id(%barrier3A_294)
    %mul3A_295 = arith.constant 640 : i32
    %mul3A_296 = arith.muli %arg1, %mul3A_295 : i32
    %mul3A_297 = arith.constant 640 : i32
    %mul3A_298 = arith.muli %arg1, %mul3A_297 : i32
    "tpu.region"() ({
      %run_scoped3A = tpu.sem_alloc : memref<!tpu.dma_semaphore, #tpu.memory_space<semaphore_mem>>
      %dma_start3A = tpu.memref_slice %arg3[%arg0, %mul3A_298] : memref<2x10240xf32, #tpu.memory_space<hbm>> -> memref<1x640xf32, #tpu.memory_space<hbm>>
      %dma_start3A_299 = tpu.memref_squeeze %dma_start3A : memref<1x640xf32, #tpu.memory_space<hbm>> -> memref<640xf32, #tpu.memory_space<hbm>>
      %dma_start3A_300 = tpu.memref_slice %arg7[%mul3A_296] : memref<10240xf32, #tpu.memory_space<vmem_shared>> -> memref<640xf32, #tpu.memory_space<vmem_shared>>
      tpu.enqueue_dma source(%dma_start3A_300 : memref<640xf32, #tpu.memory_space<vmem_shared>>) target(%dma_start3A_299 : memref<640xf32, #tpu.memory_space<hbm>>) target_semaphore(%run_scoped3A : memref<!tpu.dma_semaphore, #tpu.memory_space<semaphore_mem>>)
      %dma_wait3A = tpu.memref_slice %arg3[%arg0, %mul3A_298] : memref<2x10240xf32, #tpu.memory_space<hbm>> -> memref<1x640xf32, #tpu.memory_space<hbm>>
      %dma_wait3A_301 = tpu.memref_squeeze %dma_wait3A : memref<1x640xf32, #tpu.memory_space<hbm>> -> memref<640xf32, #tpu.memory_space<hbm>>
      %dma_wait3A_302 = tpu.memref_slice %arg7[%mul3A_296] : memref<10240xf32, #tpu.memory_space<vmem_shared>> -> memref<640xf32, #tpu.memory_space<vmem_shared>>
      tpu.wait_dma2 semaphore(%run_scoped3A : memref<!tpu.dma_semaphore, #tpu.memory_space<semaphore_mem>>) src(%dma_wait3A_302 : memref<640xf32, #tpu.memory_space<vmem_shared>>) dst(%dma_wait3A_301 : memref<640xf32, #tpu.memory_space<hbm>>)
      tpu.yield
    }) : () -> ()
    return
  }
}

#map = affine_map<(d0, d1) -> (0, 0)>
#map1 = affine_map<(d0, d1) -> (0, 0, 0)>
module attributes {stable_mosaic.version = 14 : i64} {
  func.func @k(%arg0: i32, %arg1: i32, %arg2: memref<10000x128xf32, #tpu.memory_space<hbm>>, %arg3: memref<4000x80xi32, #tpu.memory_space<hbm>>, %arg4: memref<4000x80xi32, #tpu.memory_space<hbm>>, %arg5: memref<2x10240x128xf32, #tpu.memory_space<hbm>>, %arg6: memref<80xi32, #tpu.memory_space<vmem>>, %arg7: memref<80xi32, #tpu.memory_space<vmem>>, %arg8: memref<80xi32, #tpu.memory_space<vmem>>, %arg9: memref<80xi32, #tpu.memory_space<vmem>>, %arg10: memref<80xi32, #tpu.memory_space<vmem>>, %arg11: memref<80xi32, #tpu.memory_space<vmem>>, %arg12: memref<80x128xf32, #tpu.memory_space<vmem>>, %arg13: memref<80x128xf32, #tpu.memory_space<vmem>>, %arg14: memref<80x128xf32, #tpu.memory_space<vmem>>, %arg15: memref<10240x128xf32, #tpu.memory_space<vmem_shared>>, %arg16: memref<!tpu.dma_semaphore, #tpu.memory_space<semaphore_mem>>, %arg17: memref<!tpu.dma_semaphore, #tpu.memory_space<semaphore_mem>>, %arg18: memref<!tpu.dma_semaphore, #tpu.memory_space<semaphore_mem>>, %arg19: memref<!tpu.dma_semaphore, #tpu.memory_space<semaphore_mem>>, %arg20: memref<!tpu.dma_semaphore, #tpu.memory_space<semaphore_mem>>, %arg21: memref<!tpu.dma_semaphore, #tpu.memory_space<semaphore_mem>>, %arg22: memref<!tpu.dma_semaphore, #tpu.memory_space<semaphore_mem>>, %arg23: memref<!tpu.dma_semaphore, #tpu.memory_space<semaphore_mem>>, %arg24: memref<!tpu.dma_semaphore, #tpu.memory_space<semaphore_mem>>, %arg25: memref<!tpu.dma_semaphore, #tpu.memory_space<semaphore_mem>>, %arg26: memref<!tpu.dma_semaphore, #tpu.memory_space<semaphore_mem>>, %arg27: memref<!tpu.dma_semaphore, #tpu.memory_space<semaphore_mem>>, %arg28: memref<!tpu.dma_semaphore, #tpu.memory_space<semaphore_mem>>, %arg29: memref<!tpu.dma_semaphore, #tpu.memory_space<semaphore_mem>>, %arg30: memref<!tpu.dma_semaphore, #tpu.memory_space<semaphore_mem>>) attributes {dimension_semantics = [#tpu.dimension_semantics<core_parallel>, #tpu.dimension_semantics<subcore_parallel>], iteration_bounds = array<i64: 2, 16>, scalar_prefetch = 0 : i64, scratch_operands = 25 : i64, tpu.core_type = #tpu.core_type<sc_vector_subcore>, window_params = [{transform_indices = #map}, {transform_indices = #map}, {transform_indices = #map}, {transform_indices = #map1}]} {
    %mul3A = arith.constant 16 : i32
    %mul3A_0 = arith.muli %arg0, %mul3A : i32
    %add3A = arith.addi %mul3A_0, %arg1 : i32
    %mul3A_1 = arith.constant 125 : i32
    %mul3A_2 = arith.muli %add3A, %mul3A_1 : i32
    %scan3A = arith.constant 0 : i32
    %scan3A_3 = arith.constant 0 : i32
    %scan3A_4 = arith.constant 80 : i32
    %scan3A_5 = arith.addi %scan3A_3, %scan3A_4 : i32
    %scan3A_6 = arith.constant 1 : i32
    scf.for %scan3A_229 = %scan3A_3 to %scan3A_5 step %scan3A_6  : i32 {
      %broadcast_in_dim3A = arith.constant 0.000000e+00 : f32
      %broadcast_in_dim3A_230 = vector.broadcast %broadcast_in_dim3A : f32 to vector<16xf32>
      %swap3A = arith.index_cast %scan3A_229 : i32 to index
      %swap3A_231 = arith.constant 0 : index
      %swap3A_232 = tpu.vector_load %arg12[%swap3A, %swap3A_231] {strides = array<i32>} : memref<80x128xf32, #tpu.memory_space<vmem>>, vector<1x16xf32>,
      %swap3A_233 = vector.shape_cast %swap3A_232 : vector<1x16xf32> to vector<16xf32>
      %swap3A_234 = vector.shape_cast %broadcast_in_dim3A_230 : vector<16xf32> to vector<1x16xf32>
      tpu.vector_store %arg12[%swap3A, %swap3A_231], %swap3A_234 {strides = array<i32>} : memref<80x128xf32, #tpu.memory_space<vmem>>, vector<1x16xf32>,
      %broadcast_in_dim3A_235 = arith.constant 0.000000e+00 : f32
      %broadcast_in_dim3A_236 = vector.broadcast %broadcast_in_dim3A_235 : f32 to vector<16xf32>
      %swap3A_237 = arith.index_cast %scan3A_229 : i32 to index
      %swap3A_238 = arith.constant 16 : index
      %swap3A_239 = tpu.vector_load %arg12[%swap3A_237, %swap3A_238] {strides = array<i32>} : memref<80x128xf32, #tpu.memory_space<vmem>>, vector<1x16xf32>,
      %swap3A_240 = vector.shape_cast %swap3A_239 : vector<1x16xf32> to vector<16xf32>
      %swap3A_241 = vector.shape_cast %broadcast_in_dim3A_236 : vector<16xf32> to vector<1x16xf32>
      tpu.vector_store %arg12[%swap3A_237, %swap3A_238], %swap3A_241 {strides = array<i32>} : memref<80x128xf32, #tpu.memory_space<vmem>>, vector<1x16xf32>,
      %broadcast_in_dim3A_242 = arith.constant 0.000000e+00 : f32
      %broadcast_in_dim3A_243 = vector.broadcast %broadcast_in_dim3A_242 : f32 to vector<16xf32>
      %swap3A_244 = arith.index_cast %scan3A_229 : i32 to index
      %swap3A_245 = arith.constant 32 : index
      %swap3A_246 = tpu.vector_load %arg12[%swap3A_244, %swap3A_245] {strides = array<i32>} : memref<80x128xf32, #tpu.memory_space<vmem>>, vector<1x16xf32>,
      %swap3A_247 = vector.shape_cast %swap3A_246 : vector<1x16xf32> to vector<16xf32>
      %swap3A_248 = vector.shape_cast %broadcast_in_dim3A_243 : vector<16xf32> to vector<1x16xf32>
      tpu.vector_store %arg12[%swap3A_244, %swap3A_245], %swap3A_248 {strides = array<i32>} : memref<80x128xf32, #tpu.memory_space<vmem>>, vector<1x16xf32>,
      %broadcast_in_dim3A_249 = arith.constant 0.000000e+00 : f32
      %broadcast_in_dim3A_250 = vector.broadcast %broadcast_in_dim3A_249 : f32 to vector<16xf32>
      %swap3A_251 = arith.index_cast %scan3A_229 : i32 to index
      %swap3A_252 = arith.constant 48 : index
      %swap3A_253 = tpu.vector_load %arg12[%swap3A_251, %swap3A_252] {strides = array<i32>} : memref<80x128xf32, #tpu.memory_space<vmem>>, vector<1x16xf32>,
      %swap3A_254 = vector.shape_cast %swap3A_253 : vector<1x16xf32> to vector<16xf32>
      %swap3A_255 = vector.shape_cast %broadcast_in_dim3A_250 : vector<16xf32> to vector<1x16xf32>
      tpu.vector_store %arg12[%swap3A_251, %swap3A_252], %swap3A_255 {strides = array<i32>} : memref<80x128xf32, #tpu.memory_space<vmem>>, vector<1x16xf32>,
      %broadcast_in_dim3A_256 = arith.constant 0.000000e+00 : f32
      %broadcast_in_dim3A_257 = vector.broadcast %broadcast_in_dim3A_256 : f32 to vector<16xf32>
      %swap3A_258 = arith.index_cast %scan3A_229 : i32 to index
      %swap3A_259 = arith.constant 64 : index
      %swap3A_260 = tpu.vector_load %arg12[%swap3A_258, %swap3A_259] {strides = array<i32>} : memref<80x128xf32, #tpu.memory_space<vmem>>, vector<1x16xf32>,
      %swap3A_261 = vector.shape_cast %swap3A_260 : vector<1x16xf32> to vector<16xf32>
      %swap3A_262 = vector.shape_cast %broadcast_in_dim3A_257 : vector<16xf32> to vector<1x16xf32>
      tpu.vector_store %arg12[%swap3A_258, %swap3A_259], %swap3A_262 {strides = array<i32>} : memref<80x128xf32, #tpu.memory_space<vmem>>, vector<1x16xf32>,
      %broadcast_in_dim3A_263 = arith.constant 0.000000e+00 : f32
      %broadcast_in_dim3A_264 = vector.broadcast %broadcast_in_dim3A_263 : f32 to vector<16xf32>
      %swap3A_265 = arith.index_cast %scan3A_229 : i32 to index
      %swap3A_266 = arith.constant 80 : index
      %swap3A_267 = tpu.vector_load %arg12[%swap3A_265, %swap3A_266] {strides = array<i32>} : memref<80x128xf32, #tpu.memory_space<vmem>>, vector<1x16xf32>,
      %swap3A_268 = vector.shape_cast %swap3A_267 : vector<1x16xf32> to vector<16xf32>
      %swap3A_269 = vector.shape_cast %broadcast_in_dim3A_264 : vector<16xf32> to vector<1x16xf32>
      tpu.vector_store %arg12[%swap3A_265, %swap3A_266], %swap3A_269 {strides = array<i32>} : memref<80x128xf32, #tpu.memory_space<vmem>>, vector<1x16xf32>,
      %broadcast_in_dim3A_270 = arith.constant 0.000000e+00 : f32
      %broadcast_in_dim3A_271 = vector.broadcast %broadcast_in_dim3A_270 : f32 to vector<16xf32>
      %swap3A_272 = arith.index_cast %scan3A_229 : i32 to index
      %swap3A_273 = arith.constant 96 : index
      %swap3A_274 = tpu.vector_load %arg12[%swap3A_272, %swap3A_273] {strides = array<i32>} : memref<80x128xf32, #tpu.memory_space<vmem>>, vector<1x16xf32>,
      %swap3A_275 = vector.shape_cast %swap3A_274 : vector<1x16xf32> to vector<16xf32>
      %swap3A_276 = vector.shape_cast %broadcast_in_dim3A_271 : vector<16xf32> to vector<1x16xf32>
      tpu.vector_store %arg12[%swap3A_272, %swap3A_273], %swap3A_276 {strides = array<i32>} : memref<80x128xf32, #tpu.memory_space<vmem>>, vector<1x16xf32>,
      %broadcast_in_dim3A_277 = arith.constant 0.000000e+00 : f32
      %broadcast_in_dim3A_278 = vector.broadcast %broadcast_in_dim3A_277 : f32 to vector<16xf32>
      %swap3A_279 = arith.index_cast %scan3A_229 : i32 to index
      %swap3A_280 = arith.constant 112 : index
      %swap3A_281 = tpu.vector_load %arg12[%swap3A_279, %swap3A_280] {strides = array<i32>} : memref<80x128xf32, #tpu.memory_space<vmem>>, vector<1x16xf32>,
      %swap3A_282 = vector.shape_cast %swap3A_281 : vector<1x16xf32> to vector<16xf32>
      %swap3A_283 = vector.shape_cast %broadcast_in_dim3A_278 : vector<16xf32> to vector<1x16xf32>
      tpu.vector_store %arg12[%swap3A_279, %swap3A_280], %swap3A_283 {strides = array<i32>} : memref<80x128xf32, #tpu.memory_space<vmem>>, vector<1x16xf32>,
    }
    %scan3A_7 = arith.constant 80 : i32
    %mul3A_8 = arith.constant 640 : i32
    %mul3A_9 = arith.muli %arg1, %mul3A_8 : i32
    %add3A_10 = arith.constant 0 : i32
    %add3A_11 = arith.addi %mul3A_9, %add3A_10 : i32
    "tpu.region"() ({
      %run_scoped3A = tpu.sem_alloc : memref<!tpu.dma_semaphore, #tpu.memory_space<semaphore_mem>>
      %dma_start3A_229 = arith.constant 0 : i32
      %dma_start3A_230 = tpu.memref_slice %arg15[%add3A_11, %dma_start3A_229] : memref<10240x128xf32, #tpu.memory_space<vmem_shared>> -> memref<80x128xf32, #tpu.memory_space<vmem_shared>>
      %dma_start3A_231 = arith.constant 0 : i32
      %dma_start3A_232 = tpu.memref_slice %arg15[%add3A_11, %dma_start3A_231] : memref<10240x128xf32, #tpu.memory_space<vmem_shared>> -> memref<80x128xf32, #tpu.memory_space<vmem_shared>>
      tpu.enqueue_dma source(%arg12 : memref<80x128xf32, #tpu.memory_space<vmem>>) target(%dma_start3A_232 : memref<80x128xf32, #tpu.memory_space<vmem_shared>>) target_semaphore(%run_scoped3A : memref<!tpu.dma_semaphore, #tpu.memory_space<semaphore_mem>>)
      %dma_wait3A_233 = arith.constant 0 : i32
      %dma_wait3A_234 = tpu.memref_slice %arg15[%add3A_11, %dma_wait3A_233] : memref<10240x128xf32, #tpu.memory_space<vmem_shared>> -> memref<80x128xf32, #tpu.memory_space<vmem_shared>>
      %dma_wait3A_235 = arith.constant 0 : i32
      %dma_wait3A_236 = tpu.memref_slice %arg15[%add3A_11, %dma_wait3A_235] : memref<10240x128xf32, #tpu.memory_space<vmem_shared>> -> memref<80x128xf32, #tpu.memory_space<vmem_shared>>
      tpu.wait_dma2 semaphore(%run_scoped3A : memref<!tpu.dma_semaphore, #tpu.memory_space<semaphore_mem>>) src(%arg12 : memref<80x128xf32, #tpu.memory_space<vmem>>) dst(%dma_wait3A_236 : memref<80x128xf32, #tpu.memory_space<vmem_shared>>)
      tpu.yield
    }) : () -> ()
    %mul3A_12 = arith.constant 640 : i32
    %mul3A_13 = arith.muli %arg1, %mul3A_12 : i32
    %add3A_14 = arith.constant 80 : i32
    %add3A_15 = arith.addi %mul3A_13, %add3A_14 : i32
    "tpu.region"() ({
      %run_scoped3A = tpu.sem_alloc : memref<!tpu.dma_semaphore, #tpu.memory_space<semaphore_mem>>
      %dma_start3A_229 = arith.constant 0 : i32
      %dma_start3A_230 = tpu.memref_slice %arg15[%add3A_15, %dma_start3A_229] : memref<10240x128xf32, #tpu.memory_space<vmem_shared>> -> memref<80x128xf32, #tpu.memory_space<vmem_shared>>
      %dma_start3A_231 = arith.constant 0 : i32
      %dma_start3A_232 = tpu.memref_slice %arg15[%add3A_15, %dma_start3A_231] : memref<10240x128xf32, #tpu.memory_space<vmem_shared>> -> memref<80x128xf32, #tpu.memory_space<vmem_shared>>
      tpu.enqueue_dma source(%arg12 : memref<80x128xf32, #tpu.memory_space<vmem>>) target(%dma_start3A_232 : memref<80x128xf32, #tpu.memory_space<vmem_shared>>) target_semaphore(%run_scoped3A : memref<!tpu.dma_semaphore, #tpu.memory_space<semaphore_mem>>)
      %dma_wait3A_233 = arith.constant 0 : i32
      %dma_wait3A_234 = tpu.memref_slice %arg15[%add3A_15, %dma_wait3A_233] : memref<10240x128xf32, #tpu.memory_space<vmem_shared>> -> memref<80x128xf32, #tpu.memory_space<vmem_shared>>
      %dma_wait3A_235 = arith.constant 0 : i32
      %dma_wait3A_236 = tpu.memref_slice %arg15[%add3A_15, %dma_wait3A_235] : memref<10240x128xf32, #tpu.memory_space<vmem_shared>> -> memref<80x128xf32, #tpu.memory_space<vmem_shared>>
      tpu.wait_dma2 semaphore(%run_scoped3A : memref<!tpu.dma_semaphore, #tpu.memory_space<semaphore_mem>>) src(%arg12 : memref<80x128xf32, #tpu.memory_space<vmem>>) dst(%dma_wait3A_236 : memref<80x128xf32, #tpu.memory_space<vmem_shared>>)
      tpu.yield
    }) : () -> ()
    %mul3A_16 = arith.constant 640 : i32
    %mul3A_17 = arith.muli %arg1, %mul3A_16 : i32
    %add3A_18 = arith.constant 160 : i32
    %add3A_19 = arith.addi %mul3A_17, %add3A_18 : i32
    "tpu.region"() ({
      %run_scoped3A = tpu.sem_alloc : memref<!tpu.dma_semaphore, #tpu.memory_space<semaphore_mem>>
      %dma_start3A_229 = arith.constant 0 : i32
      %dma_start3A_230 = tpu.memref_slice %arg15[%add3A_19, %dma_start3A_229] : memref<10240x128xf32, #tpu.memory_space<vmem_shared>> -> memref<80x128xf32, #tpu.memory_space<vmem_shared>>
      %dma_start3A_231 = arith.constant 0 : i32
      %dma_start3A_232 = tpu.memref_slice %arg15[%add3A_19, %dma_start3A_231] : memref<10240x128xf32, #tpu.memory_space<vmem_shared>> -> memref<80x128xf32, #tpu.memory_space<vmem_shared>>
      tpu.enqueue_dma source(%arg12 : memref<80x128xf32, #tpu.memory_space<vmem>>) target(%dma_start3A_232 : memref<80x128xf32, #tpu.memory_space<vmem_shared>>) target_semaphore(%run_scoped3A : memref<!tpu.dma_semaphore, #tpu.memory_space<semaphore_mem>>)
      %dma_wait3A_233 = arith.constant 0 : i32
      %dma_wait3A_234 = tpu.memref_slice %arg15[%add3A_19, %dma_wait3A_233] : memref<10240x128xf32, #tpu.memory_space<vmem_shared>> -> memref<80x128xf32, #tpu.memory_space<vmem_shared>>
      %dma_wait3A_235 = arith.constant 0 : i32
      %dma_wait3A_236 = tpu.memref_slice %arg15[%add3A_19, %dma_wait3A_235] : memref<10240x128xf32, #tpu.memory_space<vmem_shared>> -> memref<80x128xf32, #tpu.memory_space<vmem_shared>>
      tpu.wait_dma2 semaphore(%run_scoped3A : memref<!tpu.dma_semaphore, #tpu.memory_space<semaphore_mem>>) src(%arg12 : memref<80x128xf32, #tpu.memory_space<vmem>>) dst(%dma_wait3A_236 : memref<80x128xf32, #tpu.memory_space<vmem_shared>>)
      tpu.yield
    }) : () -> ()
    %mul3A_20 = arith.constant 640 : i32
    %mul3A_21 = arith.muli %arg1, %mul3A_20 : i32
    %add3A_22 = arith.constant 240 : i32
    %add3A_23 = arith.addi %mul3A_21, %add3A_22 : i32
    "tpu.region"() ({
      %run_scoped3A = tpu.sem_alloc : memref<!tpu.dma_semaphore, #tpu.memory_space<semaphore_mem>>
      %dma_start3A_229 = arith.constant 0 : i32
      %dma_start3A_230 = tpu.memref_slice %arg15[%add3A_23, %dma_start3A_229] : memref<10240x128xf32, #tpu.memory_space<vmem_shared>> -> memref<80x128xf32, #tpu.memory_space<vmem_shared>>
      %dma_start3A_231 = arith.constant 0 : i32
      %dma_start3A_232 = tpu.memref_slice %arg15[%add3A_23, %dma_start3A_231] : memref<10240x128xf32, #tpu.memory_space<vmem_shared>> -> memref<80x128xf32, #tpu.memory_space<vmem_shared>>
      tpu.enqueue_dma source(%arg12 : memref<80x128xf32, #tpu.memory_space<vmem>>) target(%dma_start3A_232 : memref<80x128xf32, #tpu.memory_space<vmem_shared>>) target_semaphore(%run_scoped3A : memref<!tpu.dma_semaphore, #tpu.memory_space<semaphore_mem>>)
      %dma_wait3A_233 = arith.constant 0 : i32
      %dma_wait3A_234 = tpu.memref_slice %arg15[%add3A_23, %dma_wait3A_233] : memref<10240x128xf32, #tpu.memory_space<vmem_shared>> -> memref<80x128xf32, #tpu.memory_space<vmem_shared>>
      %dma_wait3A_235 = arith.constant 0 : i32
      %dma_wait3A_236 = tpu.memref_slice %arg15[%add3A_23, %dma_wait3A_235] : memref<10240x128xf32, #tpu.memory_space<vmem_shared>> -> memref<80x128xf32, #tpu.memory_space<vmem_shared>>
      tpu.wait_dma2 semaphore(%run_scoped3A : memref<!tpu.dma_semaphore, #tpu.memory_space<semaphore_mem>>) src(%arg12 : memref<80x128xf32, #tpu.memory_space<vmem>>) dst(%dma_wait3A_236 : memref<80x128xf32, #tpu.memory_space<vmem_shared>>)
      tpu.yield
    }) : () -> ()
    %mul3A_24 = arith.constant 640 : i32
    %mul3A_25 = arith.muli %arg1, %mul3A_24 : i32
    %add3A_26 = arith.constant 320 : i32
    %add3A_27 = arith.addi %mul3A_25, %add3A_26 : i32
    "tpu.region"() ({
      %run_scoped3A = tpu.sem_alloc : memref<!tpu.dma_semaphore, #tpu.memory_space<semaphore_mem>>
      %dma_start3A_229 = arith.constant 0 : i32
      %dma_start3A_230 = tpu.memref_slice %arg15[%add3A_27, %dma_start3A_229] : memref<10240x128xf32, #tpu.memory_space<vmem_shared>> -> memref<80x128xf32, #tpu.memory_space<vmem_shared>>
      %dma_start3A_231 = arith.constant 0 : i32
      %dma_start3A_232 = tpu.memref_slice %arg15[%add3A_27, %dma_start3A_231] : memref<10240x128xf32, #tpu.memory_space<vmem_shared>> -> memref<80x128xf32, #tpu.memory_space<vmem_shared>>
      tpu.enqueue_dma source(%arg12 : memref<80x128xf32, #tpu.memory_space<vmem>>) target(%dma_start3A_232 : memref<80x128xf32, #tpu.memory_space<vmem_shared>>) target_semaphore(%run_scoped3A : memref<!tpu.dma_semaphore, #tpu.memory_space<semaphore_mem>>)
      %dma_wait3A_233 = arith.constant 0 : i32
      %dma_wait3A_234 = tpu.memref_slice %arg15[%add3A_27, %dma_wait3A_233] : memref<10240x128xf32, #tpu.memory_space<vmem_shared>> -> memref<80x128xf32, #tpu.memory_space<vmem_shared>>
      %dma_wait3A_235 = arith.constant 0 : i32
      %dma_wait3A_236 = tpu.memref_slice %arg15[%add3A_27, %dma_wait3A_235] : memref<10240x128xf32, #tpu.memory_space<vmem_shared>> -> memref<80x128xf32, #tpu.memory_space<vmem_shared>>
      tpu.wait_dma2 semaphore(%run_scoped3A : memref<!tpu.dma_semaphore, #tpu.memory_space<semaphore_mem>>) src(%arg12 : memref<80x128xf32, #tpu.memory_space<vmem>>) dst(%dma_wait3A_236 : memref<80x128xf32, #tpu.memory_space<vmem_shared>>)
      tpu.yield
    }) : () -> ()
    %mul3A_28 = arith.constant 640 : i32
    %mul3A_29 = arith.muli %arg1, %mul3A_28 : i32
    %add3A_30 = arith.constant 400 : i32
    %add3A_31 = arith.addi %mul3A_29, %add3A_30 : i32
    "tpu.region"() ({
      %run_scoped3A = tpu.sem_alloc : memref<!tpu.dma_semaphore, #tpu.memory_space<semaphore_mem>>
      %dma_start3A_229 = arith.constant 0 : i32
      %dma_start3A_230 = tpu.memref_slice %arg15[%add3A_31, %dma_start3A_229] : memref<10240x128xf32, #tpu.memory_space<vmem_shared>> -> memref<80x128xf32, #tpu.memory_space<vmem_shared>>
      %dma_start3A_231 = arith.constant 0 : i32
      %dma_start3A_232 = tpu.memref_slice %arg15[%add3A_31, %dma_start3A_231] : memref<10240x128xf32, #tpu.memory_space<vmem_shared>> -> memref<80x128xf32, #tpu.memory_space<vmem_shared>>
      tpu.enqueue_dma source(%arg12 : memref<80x128xf32, #tpu.memory_space<vmem>>) target(%dma_start3A_232 : memref<80x128xf32, #tpu.memory_space<vmem_shared>>) target_semaphore(%run_scoped3A : memref<!tpu.dma_semaphore, #tpu.memory_space<semaphore_mem>>)
      %dma_wait3A_233 = arith.constant 0 : i32
      %dma_wait3A_234 = tpu.memref_slice %arg15[%add3A_31, %dma_wait3A_233] : memref<10240x128xf32, #tpu.memory_space<vmem_shared>> -> memref<80x128xf32, #tpu.memory_space<vmem_shared>>
      %dma_wait3A_235 = arith.constant 0 : i32
      %dma_wait3A_236 = tpu.memref_slice %arg15[%add3A_31, %dma_wait3A_235] : memref<10240x128xf32, #tpu.memory_space<vmem_shared>> -> memref<80x128xf32, #tpu.memory_space<vmem_shared>>
      tpu.wait_dma2 semaphore(%run_scoped3A : memref<!tpu.dma_semaphore, #tpu.memory_space<semaphore_mem>>) src(%arg12 : memref<80x128xf32, #tpu.memory_space<vmem>>) dst(%dma_wait3A_236 : memref<80x128xf32, #tpu.memory_space<vmem_shared>>)
      tpu.yield
    }) : () -> ()
    %mul3A_32 = arith.constant 640 : i32
    %mul3A_33 = arith.muli %arg1, %mul3A_32 : i32
    %add3A_34 = arith.constant 480 : i32
    %add3A_35 = arith.addi %mul3A_33, %add3A_34 : i32
    "tpu.region"() ({
      %run_scoped3A = tpu.sem_alloc : memref<!tpu.dma_semaphore, #tpu.memory_space<semaphore_mem>>
      %dma_start3A_229 = arith.constant 0 : i32
      %dma_start3A_230 = tpu.memref_slice %arg15[%add3A_35, %dma_start3A_229] : memref<10240x128xf32, #tpu.memory_space<vmem_shared>> -> memref<80x128xf32, #tpu.memory_space<vmem_shared>>
      %dma_start3A_231 = arith.constant 0 : i32
      %dma_start3A_232 = tpu.memref_slice %arg15[%add3A_35, %dma_start3A_231] : memref<10240x128xf32, #tpu.memory_space<vmem_shared>> -> memref<80x128xf32, #tpu.memory_space<vmem_shared>>
      tpu.enqueue_dma source(%arg12 : memref<80x128xf32, #tpu.memory_space<vmem>>) target(%dma_start3A_232 : memref<80x128xf32, #tpu.memory_space<vmem_shared>>) target_semaphore(%run_scoped3A : memref<!tpu.dma_semaphore, #tpu.memory_space<semaphore_mem>>)
      %dma_wait3A_233 = arith.constant 0 : i32
      %dma_wait3A_234 = tpu.memref_slice %arg15[%add3A_35, %dma_wait3A_233] : memref<10240x128xf32, #tpu.memory_space<vmem_shared>> -> memref<80x128xf32, #tpu.memory_space<vmem_shared>>
      %dma_wait3A_235 = arith.constant 0 : i32
      %dma_wait3A_236 = tpu.memref_slice %arg15[%add3A_35, %dma_wait3A_235] : memref<10240x128xf32, #tpu.memory_space<vmem_shared>> -> memref<80x128xf32, #tpu.memory_space<vmem_shared>>
      tpu.wait_dma2 semaphore(%run_scoped3A : memref<!tpu.dma_semaphore, #tpu.memory_space<semaphore_mem>>) src(%arg12 : memref<80x128xf32, #tpu.memory_space<vmem>>) dst(%dma_wait3A_236 : memref<80x128xf32, #tpu.memory_space<vmem_shared>>)
      tpu.yield
    }) : () -> ()
    %mul3A_36 = arith.constant 640 : i32
    %mul3A_37 = arith.muli %arg1, %mul3A_36 : i32
    %add3A_38 = arith.constant 560 : i32
    %add3A_39 = arith.addi %mul3A_37, %add3A_38 : i32
    "tpu.region"() ({
      %run_scoped3A = tpu.sem_alloc : memref<!tpu.dma_semaphore, #tpu.memory_space<semaphore_mem>>
      %dma_start3A_229 = arith.constant 0 : i32
      %dma_start3A_230 = tpu.memref_slice %arg15[%add3A_39, %dma_start3A_229] : memref<10240x128xf32, #tpu.memory_space<vmem_shared>> -> memref<80x128xf32, #tpu.memory_space<vmem_shared>>
      %dma_start3A_231 = arith.constant 0 : i32
      %dma_start3A_232 = tpu.memref_slice %arg15[%add3A_39, %dma_start3A_231] : memref<10240x128xf32, #tpu.memory_space<vmem_shared>> -> memref<80x128xf32, #tpu.memory_space<vmem_shared>>
      tpu.enqueue_dma source(%arg12 : memref<80x128xf32, #tpu.memory_space<vmem>>) target(%dma_start3A_232 : memref<80x128xf32, #tpu.memory_space<vmem_shared>>) target_semaphore(%run_scoped3A : memref<!tpu.dma_semaphore, #tpu.memory_space<semaphore_mem>>)
      %dma_wait3A_233 = arith.constant 0 : i32
      %dma_wait3A_234 = tpu.memref_slice %arg15[%add3A_39, %dma_wait3A_233] : memref<10240x128xf32, #tpu.memory_space<vmem_shared>> -> memref<80x128xf32, #tpu.memory_space<vmem_shared>>
      %dma_wait3A_235 = arith.constant 0 : i32
      %dma_wait3A_236 = tpu.memref_slice %arg15[%add3A_39, %dma_wait3A_235] : memref<10240x128xf32, #tpu.memory_space<vmem_shared>> -> memref<80x128xf32, #tpu.memory_space<vmem_shared>>
      tpu.wait_dma2 semaphore(%run_scoped3A : memref<!tpu.dma_semaphore, #tpu.memory_space<semaphore_mem>>) src(%arg12 : memref<80x128xf32, #tpu.memory_space<vmem>>) dst(%dma_wait3A_236 : memref<80x128xf32, #tpu.memory_space<vmem_shared>>)
      tpu.yield
    }) : () -> ()
    %barrier3A = arith.constant 0 : index
    tpu.barrier barrier_id(%barrier3A)
    %add3A_40 = arith.constant 0 : i32
    %add3A_41 = arith.addi %mul3A_2, %add3A_40 : i32
    %dma_start3A = arith.constant 0 : i32
    %dma_start3A_42 = tpu.memref_slice %arg3[%add3A_41, %dma_start3A] : memref<4000x80xi32, #tpu.memory_space<hbm>> -> memref<1x80xi32, #tpu.memory_space<hbm>>
    %dma_start3A_43 = tpu.memref_squeeze %dma_start3A_42 : memref<1x80xi32, #tpu.memory_space<hbm>> -> memref<80xi32, #tpu.memory_space<hbm>>
    %dma_start3A_44 = arith.constant 0 : i32
    %dma_start3A_45 = tpu.memref_slice %arg3[%add3A_41, %dma_start3A_44] : memref<4000x80xi32, #tpu.memory_space<hbm>> -> memref<1x80xi32, #tpu.memory_space<hbm>>
    %dma_start3A_46 = tpu.memref_squeeze %dma_start3A_45 : memref<1x80xi32, #tpu.memory_space<hbm>> -> memref<80xi32, #tpu.memory_space<hbm>>
    tpu.enqueue_dma source(%dma_start3A_46 : memref<80xi32, #tpu.memory_space<hbm>>) target(%arg6 : memref<80xi32, #tpu.memory_space<vmem>>) target_semaphore(%arg16 : memref<!tpu.dma_semaphore, #tpu.memory_space<semaphore_mem>>)
    %add3A_47 = arith.constant 0 : i32
    %add3A_48 = arith.addi %mul3A_2, %add3A_47 : i32
    %dma_start3A_49 = arith.constant 0 : i32
    %dma_start3A_50 = tpu.memref_slice %arg4[%add3A_48, %dma_start3A_49] : memref<4000x80xi32, #tpu.memory_space<hbm>> -> memref<1x80xi32, #tpu.memory_space<hbm>>
    %dma_start3A_51 = tpu.memref_squeeze %dma_start3A_50 : memref<1x80xi32, #tpu.memory_space<hbm>> -> memref<80xi32, #tpu.memory_space<hbm>>
    %dma_start3A_52 = arith.constant 0 : i32
    %dma_start3A_53 = tpu.memref_slice %arg4[%add3A_48, %dma_start3A_52] : memref<4000x80xi32, #tpu.memory_space<hbm>> -> memref<1x80xi32, #tpu.memory_space<hbm>>
    %dma_start3A_54 = tpu.memref_squeeze %dma_start3A_53 : memref<1x80xi32, #tpu.memory_space<hbm>> -> memref<80xi32, #tpu.memory_space<hbm>>
    tpu.enqueue_dma source(%dma_start3A_54 : memref<80xi32, #tpu.memory_space<hbm>>) target(%arg9 : memref<80xi32, #tpu.memory_space<vmem>>) target_semaphore(%arg19 : memref<!tpu.dma_semaphore, #tpu.memory_space<semaphore_mem>>)
    %add3A_55 = arith.constant 1 : i32
    %add3A_56 = arith.addi %mul3A_2, %add3A_55 : i32
    %dma_start3A_57 = arith.constant 0 : i32
    %dma_start3A_58 = tpu.memref_slice %arg3[%add3A_56, %dma_start3A_57] : memref<4000x80xi32, #tpu.memory_space<hbm>> -> memref<1x80xi32, #tpu.memory_space<hbm>>
    %dma_start3A_59 = tpu.memref_squeeze %dma_start3A_58 : memref<1x80xi32, #tpu.memory_space<hbm>> -> memref<80xi32, #tpu.memory_space<hbm>>
    %dma_start3A_60 = arith.constant 0 : i32
    %dma_start3A_61 = tpu.memref_slice %arg3[%add3A_56, %dma_start3A_60] : memref<4000x80xi32, #tpu.memory_space<hbm>> -> memref<1x80xi32, #tpu.memory_space<hbm>>
    %dma_start3A_62 = tpu.memref_squeeze %dma_start3A_61 : memref<1x80xi32, #tpu.memory_space<hbm>> -> memref<80xi32, #tpu.memory_space<hbm>>
    tpu.enqueue_dma source(%dma_start3A_62 : memref<80xi32, #tpu.memory_space<hbm>>) target(%arg7 : memref<80xi32, #tpu.memory_space<vmem>>) target_semaphore(%arg17 : memref<!tpu.dma_semaphore, #tpu.memory_space<semaphore_mem>>)
    %add3A_63 = arith.constant 1 : i32
    %add3A_64 = arith.addi %mul3A_2, %add3A_63 : i32
    %dma_start3A_65 = arith.constant 0 : i32
    %dma_start3A_66 = tpu.memref_slice %arg4[%add3A_64, %dma_start3A_65] : memref<4000x80xi32, #tpu.memory_space<hbm>> -> memref<1x80xi32, #tpu.memory_space<hbm>>
    %dma_start3A_67 = tpu.memref_squeeze %dma_start3A_66 : memref<1x80xi32, #tpu.memory_space<hbm>> -> memref<80xi32, #tpu.memory_space<hbm>>
    %dma_start3A_68 = arith.constant 0 : i32
    %dma_start3A_69 = tpu.memref_slice %arg4[%add3A_64, %dma_start3A_68] : memref<4000x80xi32, #tpu.memory_space<hbm>> -> memref<1x80xi32, #tpu.memory_space<hbm>>
    %dma_start3A_70 = tpu.memref_squeeze %dma_start3A_69 : memref<1x80xi32, #tpu.memory_space<hbm>> -> memref<80xi32, #tpu.memory_space<hbm>>
    tpu.enqueue_dma source(%dma_start3A_70 : memref<80xi32, #tpu.memory_space<hbm>>) target(%arg10 : memref<80xi32, #tpu.memory_space<vmem>>) target_semaphore(%arg20 : memref<!tpu.dma_semaphore, #tpu.memory_space<semaphore_mem>>)
    %add3A_71 = arith.constant 2 : i32
    %add3A_72 = arith.addi %mul3A_2, %add3A_71 : i32
    %dma_start3A_73 = arith.constant 0 : i32
    %dma_start3A_74 = tpu.memref_slice %arg3[%add3A_72, %dma_start3A_73] : memref<4000x80xi32, #tpu.memory_space<hbm>> -> memref<1x80xi32, #tpu.memory_space<hbm>>
    %dma_start3A_75 = tpu.memref_squeeze %dma_start3A_74 : memref<1x80xi32, #tpu.memory_space<hbm>> -> memref<80xi32, #tpu.memory_space<hbm>>
    %dma_start3A_76 = arith.constant 0 : i32
    %dma_start3A_77 = tpu.memref_slice %arg3[%add3A_72, %dma_start3A_76] : memref<4000x80xi32, #tpu.memory_space<hbm>> -> memref<1x80xi32, #tpu.memory_space<hbm>>
    %dma_start3A_78 = tpu.memref_squeeze %dma_start3A_77 : memref<1x80xi32, #tpu.memory_space<hbm>> -> memref<80xi32, #tpu.memory_space<hbm>>
    tpu.enqueue_dma source(%dma_start3A_78 : memref<80xi32, #tpu.memory_space<hbm>>) target(%arg8 : memref<80xi32, #tpu.memory_space<vmem>>) target_semaphore(%arg18 : memref<!tpu.dma_semaphore, #tpu.memory_space<semaphore_mem>>)
    %add3A_79 = arith.constant 2 : i32
    %add3A_80 = arith.addi %mul3A_2, %add3A_79 : i32
    %dma_start3A_81 = arith.constant 0 : i32
    %dma_start3A_82 = tpu.memref_slice %arg4[%add3A_80, %dma_start3A_81] : memref<4000x80xi32, #tpu.memory_space<hbm>> -> memref<1x80xi32, #tpu.memory_space<hbm>>
    %dma_start3A_83 = tpu.memref_squeeze %dma_start3A_82 : memref<1x80xi32, #tpu.memory_space<hbm>> -> memref<80xi32, #tpu.memory_space<hbm>>
    %dma_start3A_84 = arith.constant 0 : i32
    %dma_start3A_85 = tpu.memref_slice %arg4[%add3A_80, %dma_start3A_84] : memref<4000x80xi32, #tpu.memory_space<hbm>> -> memref<1x80xi32, #tpu.memory_space<hbm>>
    %dma_start3A_86 = tpu.memref_squeeze %dma_start3A_85 : memref<1x80xi32, #tpu.memory_space<hbm>> -> memref<80xi32, #tpu.memory_space<hbm>>
    tpu.enqueue_dma source(%dma_start3A_86 : memref<80xi32, #tpu.memory_space<hbm>>) target(%arg11 : memref<80xi32, #tpu.memory_space<vmem>>) target_semaphore(%arg21 : memref<!tpu.dma_semaphore, #tpu.memory_space<semaphore_mem>>)
    %add3A_87 = arith.constant 0 : i32
    %add3A_88 = arith.addi %mul3A_2, %add3A_87 : i32
    %dma_wait3A = arith.constant 0 : i32
    %dma_wait3A_89 = tpu.memref_slice %arg3[%add3A_88, %dma_wait3A] : memref<4000x80xi32, #tpu.memory_space<hbm>> -> memref<1x80xi32, #tpu.memory_space<hbm>>
    %dma_wait3A_90 = tpu.memref_squeeze %dma_wait3A_89 : memref<1x80xi32, #tpu.memory_space<hbm>> -> memref<80xi32, #tpu.memory_space<hbm>>
    %dma_wait3A_91 = arith.constant 0 : i32
    %dma_wait3A_92 = tpu.memref_slice %arg3[%add3A_88, %dma_wait3A_91] : memref<4000x80xi32, #tpu.memory_space<hbm>> -> memref<1x80xi32, #tpu.memory_space<hbm>>
    %dma_wait3A_93 = tpu.memref_squeeze %dma_wait3A_92 : memref<1x80xi32, #tpu.memory_space<hbm>> -> memref<80xi32, #tpu.memory_space<hbm>>
    tpu.wait_dma2 semaphore(%arg16 : memref<!tpu.dma_semaphore, #tpu.memory_space<semaphore_mem>>) src(%dma_wait3A_93 : memref<80xi32, #tpu.memory_space<hbm>>) dst(%arg6 : memref<80xi32, #tpu.memory_space<vmem>>)
    %dma_start3A_94 = arith.constant 0 : i32
    %dma_start3A_95 = arith.constant 0 : i32
    %dma_start3A_96 = tpu.memref_slice %arg12[%dma_start3A_94, %dma_start3A_95] : memref<80x128xf32, #tpu.memory_space<vmem>> -> memref<40x128xf32, #tpu.memory_space<vmem>>
    %dma_start3A_97 = arith.constant 0 : i32
    %dma_start3A_98 = tpu.memref_slice %arg6[%dma_start3A_97] : memref<80xi32, #tpu.memory_space<vmem>> -> memref<40xi32, #tpu.memory_space<vmem>>
    %dma_start3A_99 = arith.constant 0 : i32
    %dma_start3A_100 = arith.constant 0 : i32
    %dma_start3A_101 = tpu.memref_slice %arg2[%dma_start3A_99, %dma_start3A_100] : memref<10000x128xf32, #tpu.memory_space<hbm>> -> memref<10000x128xf32, #tpu.memory_space<hbm>>
    tpu.enqueue_indirect_dma source(%dma_start3A_101 : memref<10000x128xf32, #tpu.memory_space<hbm>>) target(%dma_start3A_96 : memref<40x128xf32, #tpu.memory_space<vmem>>) offsets(%dma_start3A_98 : memref<40xi32, #tpu.memory_space<vmem>>) semaphore(%arg22 : memref<!tpu.dma_semaphore, #tpu.memory_space<semaphore_mem>>)
    %dma_start3A_102 = arith.constant 40 : i32
    %dma_start3A_103 = arith.constant 0 : i32
    %dma_start3A_104 = tpu.memref_slice %arg12[%dma_start3A_102, %dma_start3A_103] : memref<80x128xf32, #tpu.memory_space<vmem>> -> memref<40x128xf32, #tpu.memory_space<vmem>>
    %dma_start3A_105 = arith.constant 40 : i32
    %dma_start3A_106 = tpu.memref_slice %arg6[%dma_start3A_105] : memref<80xi32, #tpu.memory_space<vmem>> -> memref<40xi32, #tpu.memory_space<vmem>>
    %dma_start3A_107 = arith.constant 0 : i32
    %dma_start3A_108 = arith.constant 0 : i32
    %dma_start3A_109 = tpu.memref_slice %arg2[%dma_start3A_107, %dma_start3A_108] : memref<10000x128xf32, #tpu.memory_space<hbm>> -> memref<10000x128xf32, #tpu.memory_space<hbm>>
    tpu.enqueue_indirect_dma source(%dma_start3A_109 : memref<10000x128xf32, #tpu.memory_space<hbm>>) target(%dma_start3A_104 : memref<40x128xf32, #tpu.memory_space<vmem>>) offsets(%dma_start3A_106 : memref<40xi32, #tpu.memory_space<vmem>>) semaphore(%arg25 : memref<!tpu.dma_semaphore, #tpu.memory_space<semaphore_mem>>)
    %add3A_110 = arith.constant 1 : i32
    %add3A_111 = arith.addi %mul3A_2, %add3A_110 : i32
    %dma_wait3A_112 = arith.constant 0 : i32
    %dma_wait3A_113 = tpu.memref_slice %arg3[%add3A_111, %dma_wait3A_112] : memref<4000x80xi32, #tpu.memory_space<hbm>> -> memref<1x80xi32, #tpu.memory_space<hbm>>
    %dma_wait3A_114 = tpu.memref_squeeze %dma_wait3A_113 : memref<1x80xi32, #tpu.memory_space<hbm>> -> memref<80xi32, #tpu.memory_space<hbm>>
    %dma_wait3A_115 = arith.constant 0 : i32
    %dma_wait3A_116 = tpu.memref_slice %arg3[%add3A_111, %dma_wait3A_115] : memref<4000x80xi32, #tpu.memory_space<hbm>> -> memref<1x80xi32, #tpu.memory_space<hbm>>
    %dma_wait3A_117 = tpu.memref_squeeze %dma_wait3A_116 : memref<1x80xi32, #tpu.memory_space<hbm>> -> memref<80xi32, #tpu.memory_space<hbm>>
    tpu.wait_dma2 semaphore(%arg17 : memref<!tpu.dma_semaphore, #tpu.memory_space<semaphore_mem>>) src(%dma_wait3A_117 : memref<80xi32, #tpu.memory_space<hbm>>) dst(%arg7 : memref<80xi32, #tpu.memory_space<vmem>>)
    %dma_start3A_118 = arith.constant 0 : i32
    %dma_start3A_119 = arith.constant 0 : i32
    %dma_start3A_120 = tpu.memref_slice %arg13[%dma_start3A_118, %dma_start3A_119] : memref<80x128xf32, #tpu.memory_space<vmem>> -> memref<40x128xf32, #tpu.memory_space<vmem>>
    %dma_start3A_121 = arith.constant 0 : i32
    %dma_start3A_122 = tpu.memref_slice %arg7[%dma_start3A_121] : memref<80xi32, #tpu.memory_space<vmem>> -> memref<40xi32, #tpu.memory_space<vmem>>
    %dma_start3A_123 = arith.constant 0 : i32
    %dma_start3A_124 = arith.constant 0 : i32
    %dma_start3A_125 = tpu.memref_slice %arg2[%dma_start3A_123, %dma_start3A_124] : memref<10000x128xf32, #tpu.memory_space<hbm>> -> memref<10000x128xf32, #tpu.memory_space<hbm>>
    tpu.enqueue_indirect_dma source(%dma_start3A_125 : memref<10000x128xf32, #tpu.memory_space<hbm>>) target(%dma_start3A_120 : memref<40x128xf32, #tpu.memory_space<vmem>>) offsets(%dma_start3A_122 : memref<40xi32, #tpu.memory_space<vmem>>) semaphore(%arg23 : memref<!tpu.dma_semaphore, #tpu.memory_space<semaphore_mem>>)
    %dma_start3A_126 = arith.constant 40 : i32
    %dma_start3A_127 = arith.constant 0 : i32
    %dma_start3A_128 = tpu.memref_slice %arg13[%dma_start3A_126, %dma_start3A_127] : memref<80x128xf32, #tpu.memory_space<vmem>> -> memref<40x128xf32, #tpu.memory_space<vmem>>
    %dma_start3A_129 = arith.constant 40 : i32
    %dma_start3A_130 = tpu.memref_slice %arg7[%dma_start3A_129] : memref<80xi32, #tpu.memory_space<vmem>> -> memref<40xi32, #tpu.memory_space<vmem>>
    %dma_start3A_131 = arith.constant 0 : i32
    %dma_start3A_132 = arith.constant 0 : i32
    %dma_start3A_133 = tpu.memref_slice %arg2[%dma_start3A_131, %dma_start3A_132] : memref<10000x128xf32, #tpu.memory_space<hbm>> -> memref<10000x128xf32, #tpu.memory_space<hbm>>
    tpu.enqueue_indirect_dma source(%dma_start3A_133 : memref<10000x128xf32, #tpu.memory_space<hbm>>) target(%dma_start3A_128 : memref<40x128xf32, #tpu.memory_space<vmem>>) offsets(%dma_start3A_130 : memref<40xi32, #tpu.memory_space<vmem>>) semaphore(%arg26 : memref<!tpu.dma_semaphore, #tpu.memory_space<semaphore_mem>>)
    %add3A_134 = arith.constant 2 : i32
    %add3A_135 = arith.addi %mul3A_2, %add3A_134 : i32
    %dma_wait3A_136 = arith.constant 0 : i32
    %dma_wait3A_137 = tpu.memref_slice %arg3[%add3A_135, %dma_wait3A_136] : memref<4000x80xi32, #tpu.memory_space<hbm>> -> memref<1x80xi32, #tpu.memory_space<hbm>>
    %dma_wait3A_138 = tpu.memref_squeeze %dma_wait3A_137 : memref<1x80xi32, #tpu.memory_space<hbm>> -> memref<80xi32, #tpu.memory_space<hbm>>
    %dma_wait3A_139 = arith.constant 0 : i32
    %dma_wait3A_140 = tpu.memref_slice %arg3[%add3A_135, %dma_wait3A_139] : memref<4000x80xi32, #tpu.memory_space<hbm>> -> memref<1x80xi32, #tpu.memory_space<hbm>>
    %dma_wait3A_141 = tpu.memref_squeeze %dma_wait3A_140 : memref<1x80xi32, #tpu.memory_space<hbm>> -> memref<80xi32, #tpu.memory_space<hbm>>
    tpu.wait_dma2 semaphore(%arg18 : memref<!tpu.dma_semaphore, #tpu.memory_space<semaphore_mem>>) src(%dma_wait3A_141 : memref<80xi32, #tpu.memory_space<hbm>>) dst(%arg8 : memref<80xi32, #tpu.memory_space<vmem>>)
    %dma_start3A_142 = arith.constant 0 : i32
    %dma_start3A_143 = arith.constant 0 : i32
    %dma_start3A_144 = tpu.memref_slice %arg14[%dma_start3A_142, %dma_start3A_143] : memref<80x128xf32, #tpu.memory_space<vmem>> -> memref<40x128xf32, #tpu.memory_space<vmem>>
    %dma_start3A_145 = arith.constant 0 : i32
    %dma_start3A_146 = tpu.memref_slice %arg8[%dma_start3A_145] : memref<80xi32, #tpu.memory_space<vmem>> -> memref<40xi32, #tpu.memory_space<vmem>>
    %dma_start3A_147 = arith.constant 0 : i32
    %dma_start3A_148 = arith.constant 0 : i32
    %dma_start3A_149 = tpu.memref_slice %arg2[%dma_start3A_147, %dma_start3A_148] : memref<10000x128xf32, #tpu.memory_space<hbm>> -> memref<10000x128xf32, #tpu.memory_space<hbm>>
    tpu.enqueue_indirect_dma source(%dma_start3A_149 : memref<10000x128xf32, #tpu.memory_space<hbm>>) target(%dma_start3A_144 : memref<40x128xf32, #tpu.memory_space<vmem>>) offsets(%dma_start3A_146 : memref<40xi32, #tpu.memory_space<vmem>>) semaphore(%arg24 : memref<!tpu.dma_semaphore, #tpu.memory_space<semaphore_mem>>)
    %dma_start3A_150 = arith.constant 40 : i32
    %dma_start3A_151 = arith.constant 0 : i32
    %dma_start3A_152 = tpu.memref_slice %arg14[%dma_start3A_150, %dma_start3A_151] : memref<80x128xf32, #tpu.memory_space<vmem>> -> memref<40x128xf32, #tpu.memory_space<vmem>>
    %dma_start3A_153 = arith.constant 40 : i32
    %dma_start3A_154 = tpu.memref_slice %arg8[%dma_start3A_153] : memref<80xi32, #tpu.memory_space<vmem>> -> memref<40xi32, #tpu.memory_space<vmem>>
    %dma_start3A_155 = arith.constant 0 : i32
    %dma_start3A_156 = arith.constant 0 : i32
    %dma_start3A_157 = tpu.memref_slice %arg2[%dma_start3A_155, %dma_start3A_156] : memref<10000x128xf32, #tpu.memory_space<hbm>> -> memref<10000x128xf32, #tpu.memory_space<hbm>>
    tpu.enqueue_indirect_dma source(%dma_start3A_157 : memref<10000x128xf32, #tpu.memory_space<hbm>>) target(%dma_start3A_152 : memref<40x128xf32, #tpu.memory_space<vmem>>) offsets(%dma_start3A_154 : memref<40xi32, #tpu.memory_space<vmem>>) semaphore(%arg27 : memref<!tpu.dma_semaphore, #tpu.memory_space<semaphore_mem>>)
    %scan3A_158 = arith.constant 0 : i32
    %scan3A_159 = arith.constant 0 : i32
    %scan3A_160 = arith.constant 41 : i32
    %scan3A_161 = arith.addi %scan3A_159, %scan3A_160 : i32
    %scan3A_162 = arith.constant 1 : i32
    scf.for %scan3A_229 = %scan3A_159 to %scan3A_161 step %scan3A_162  : i32 {
      %mul3A_230 = arith.constant 3 : i32
      %mul3A_231 = arith.muli %mul3A_230, %scan3A_229 : i32
      %add3A_232 = arith.constant 0 : i32
      %add3A_233 = arith.addi %mul3A_231, %add3A_232 : i32
      %dma_wait3A_234 = arith.constant 0 : i32
      %dma_wait3A_235 = arith.constant 0 : i32
      %dma_wait3A_236 = tpu.memref_slice %arg12[%dma_wait3A_234, %dma_wait3A_235] : memref<80x128xf32, #tpu.memory_space<vmem>> -> memref<40x128xf32, #tpu.memory_space<vmem>>
      %dma_wait3A_237 = arith.constant 0 : i32
      %dma_wait3A_238 = tpu.memref_slice %arg6[%dma_wait3A_237] : memref<80xi32, #tpu.memory_space<vmem>> -> memref<40xi32, #tpu.memory_space<vmem>>
      %dma_wait3A_239 = arith.constant 0 : i32
      %dma_wait3A_240 = arith.constant 0 : i32
      %dma_wait3A_241 = tpu.memref_slice %arg2[%dma_wait3A_239, %dma_wait3A_240] : memref<10000x128xf32, #tpu.memory_space<hbm>> -> memref<10000x128xf32, #tpu.memory_space<hbm>>
      tpu.wait_indirect_dma semaphore(%arg22 : memref<!tpu.dma_semaphore, #tpu.memory_space<semaphore_mem>>) src(%dma_wait3A_241 : memref<10000x128xf32, #tpu.memory_space<hbm>>) dst(%dma_wait3A_236 : memref<40x128xf32, #tpu.memory_space<vmem>>)
      %dma_wait3A_242 = arith.constant 40 : i32
      %dma_wait3A_243 = arith.constant 0 : i32
      %dma_wait3A_244 = tpu.memref_slice %arg12[%dma_wait3A_242, %dma_wait3A_243] : memref<80x128xf32, #tpu.memory_space<vmem>> -> memref<40x128xf32, #tpu.memory_space<vmem>>
      %dma_wait3A_245 = arith.constant 40 : i32
      %dma_wait3A_246 = tpu.memref_slice %arg6[%dma_wait3A_245] : memref<80xi32, #tpu.memory_space<vmem>> -> memref<40xi32, #tpu.memory_space<vmem>>
      %dma_wait3A_247 = arith.constant 0 : i32
      %dma_wait3A_248 = arith.constant 0 : i32
      %dma_wait3A_249 = tpu.memref_slice %arg2[%dma_wait3A_247, %dma_wait3A_248] : memref<10000x128xf32, #tpu.memory_space<hbm>> -> memref<10000x128xf32, #tpu.memory_space<hbm>>
      tpu.wait_indirect_dma semaphore(%arg25 : memref<!tpu.dma_semaphore, #tpu.memory_space<semaphore_mem>>) src(%dma_wait3A_249 : memref<10000x128xf32, #tpu.memory_space<hbm>>) dst(%dma_wait3A_244 : memref<40x128xf32, #tpu.memory_space<vmem>>)
      %add3A_250 = arith.addi %mul3A_2, %add3A_233 : i32
      %dma_wait3A_251 = arith.constant 0 : i32
      %dma_wait3A_252 = tpu.memref_slice %arg4[%add3A_250, %dma_wait3A_251] : memref<4000x80xi32, #tpu.memory_space<hbm>> -> memref<1x80xi32, #tpu.memory_space<hbm>>
      %dma_wait3A_253 = tpu.memref_squeeze %dma_wait3A_252 : memref<1x80xi32, #tpu.memory_space<hbm>> -> memref<80xi32, #tpu.memory_space<hbm>>
      %dma_wait3A_254 = arith.constant 0 : i32
      %dma_wait3A_255 = tpu.memref_slice %arg4[%add3A_250, %dma_wait3A_254] : memref<4000x80xi32, #tpu.memory_space<hbm>> -> memref<1x80xi32, #tpu.memory_space<hbm>>
      %dma_wait3A_256 = tpu.memref_squeeze %dma_wait3A_255 : memref<1x80xi32, #tpu.memory_space<hbm>> -> memref<80xi32, #tpu.memory_space<hbm>>
      tpu.wait_dma2 semaphore(%arg19 : memref<!tpu.dma_semaphore, #tpu.memory_space<semaphore_mem>>) src(%dma_wait3A_256 : memref<80xi32, #tpu.memory_space<hbm>>) dst(%arg9 : memref<80xi32, #tpu.memory_space<vmem>>)
      %dma_start3A_257 = arith.constant 0 : i32
      %dma_start3A_258 = arith.constant 0 : i32
      %dma_start3A_259 = tpu.memref_slice %arg15[%dma_start3A_257, %dma_start3A_258] : memref<10240x128xf32, #tpu.memory_space<vmem_shared>> -> memref<10240x128xf32, #tpu.memory_space<vmem_shared>>
      tpu.enqueue_indirect_dma source(%arg12 : memref<80x128xf32, #tpu.memory_space<vmem>>) target(%dma_start3A_259 : memref<10240x128xf32, #tpu.memory_space<vmem_shared>>) offsets(%arg9 : memref<80xi32, #tpu.memory_space<vmem>>) semaphore(%arg28 : memref<!tpu.dma_semaphore, #tpu.memory_space<semaphore_mem>>) {add = true}
      %add3A_260 = arith.constant 3 : i32
      %add3A_261 = arith.addi %add3A_233, %add3A_260 : i32
      %lt3A = arith.constant 125 : i32
      %lt3A_262 = arith.cmpi slt, %add3A_261, %lt3A : i32
      %convert_element_type3A = arith.extui %lt3A_262 : i1 to i32
      %cond3A = arith.constant 0 : i32
      %cond3A_263 = arith.cmpi ne, %convert_element_type3A, %cond3A : i32
      scf.if %cond3A_263 {
        %add3A_370 = arith.addi %mul3A_2, %add3A_233 : i32
        %add3A_371 = arith.constant 3 : i32
        %add3A_372 = arith.addi %add3A_370, %add3A_371 : i32
        %dma_start3A_373 = arith.constant 0 : i32
        %dma_start3A_374 = tpu.memref_slice %arg3[%add3A_372, %dma_start3A_373] : memref<4000x80xi32, #tpu.memory_space<hbm>> -> memref<1x80xi32, #tpu.memory_space<hbm>>
        %dma_start3A_375 = tpu.memref_squeeze %dma_start3A_374 : memref<1x80xi32, #tpu.memory_space<hbm>> -> memref<80xi32, #tpu.memory_space<hbm>>
        %dma_start3A_376 = arith.constant 0 : i32
        %dma_start3A_377 = tpu.memref_slice %arg3[%add3A_372, %dma_start3A_376] : memref<4000x80xi32, #tpu.memory_space<hbm>> -> memref<1x80xi32, #tpu.memory_space<hbm>>
        %dma_start3A_378 = tpu.memref_squeeze %dma_start3A_377 : memref<1x80xi32, #tpu.memory_space<hbm>> -> memref<80xi32, #tpu.memory_space<hbm>>
        tpu.enqueue_dma source(%dma_start3A_378 : memref<80xi32, #tpu.memory_space<hbm>>) target(%arg6 : memref<80xi32, #tpu.memory_space<vmem>>) target_semaphore(%arg16 : memref<!tpu.dma_semaphore, #tpu.memory_space<semaphore_mem>>)
      } else {
      }
      %add3A_264 = arith.constant 1 : i32
      %add3A_265 = arith.addi %mul3A_231, %add3A_264 : i32
      %dma_wait3A_266 = arith.constant 0 : i32
      %dma_wait3A_267 = arith.constant 0 : i32
      %dma_wait3A_268 = tpu.memref_slice %arg13[%dma_wait3A_266, %dma_wait3A_267] : memref<80x128xf32, #tpu.memory_space<vmem>> -> memref<40x128xf32, #tpu.memory_space<vmem>>
      %dma_wait3A_269 = arith.constant 0 : i32
      %dma_wait3A_270 = tpu.memref_slice %arg7[%dma_wait3A_269] : memref<80xi32, #tpu.memory_space<vmem>> -> memref<40xi32, #tpu.memory_space<vmem>>
      %dma_wait3A_271 = arith.constant 0 : i32
      %dma_wait3A_272 = arith.constant 0 : i32
      %dma_wait3A_273 = tpu.memref_slice %arg2[%dma_wait3A_271, %dma_wait3A_272] : memref<10000x128xf32, #tpu.memory_space<hbm>> -> memref<10000x128xf32, #tpu.memory_space<hbm>>
      tpu.wait_indirect_dma semaphore(%arg23 : memref<!tpu.dma_semaphore, #tpu.memory_space<semaphore_mem>>) src(%dma_wait3A_273 : memref<10000x128xf32, #tpu.memory_space<hbm>>) dst(%dma_wait3A_268 : memref<40x128xf32, #tpu.memory_space<vmem>>)
      %dma_wait3A_274 = arith.constant 40 : i32
      %dma_wait3A_275 = arith.constant 0 : i32
      %dma_wait3A_276 = tpu.memref_slice %arg13[%dma_wait3A_274, %dma_wait3A_275] : memref<80x128xf32, #tpu.memory_space<vmem>> -> memref<40x128xf32, #tpu.memory_space<vmem>>
      %dma_wait3A_277 = arith.constant 40 : i32
      %dma_wait3A_278 = tpu.memref_slice %arg7[%dma_wait3A_277] : memref<80xi32, #tpu.memory_space<vmem>> -> memref<40xi32, #tpu.memory_space<vmem>>
      %dma_wait3A_279 = arith.constant 0 : i32
      %dma_wait3A_280 = arith.constant 0 : i32
      %dma_wait3A_281 = tpu.memref_slice %arg2[%dma_wait3A_279, %dma_wait3A_280] : memref<10000x128xf32, #tpu.memory_space<hbm>> -> memref<10000x128xf32, #tpu.memory_space<hbm>>
      tpu.wait_indirect_dma semaphore(%arg26 : memref<!tpu.dma_semaphore, #tpu.memory_space<semaphore_mem>>) src(%dma_wait3A_281 : memref<10000x128xf32, #tpu.memory_space<hbm>>) dst(%dma_wait3A_276 : memref<40x128xf32, #tpu.memory_space<vmem>>)
      %add3A_282 = arith.addi %mul3A_2, %add3A_265 : i32
      %dma_wait3A_283 = arith.constant 0 : i32
      %dma_wait3A_284 = tpu.memref_slice %arg4[%add3A_282, %dma_wait3A_283] : memref<4000x80xi32, #tpu.memory_space<hbm>> -> memref<1x80xi32, #tpu.memory_space<hbm>>
      %dma_wait3A_285 = tpu.memref_squeeze %dma_wait3A_284 : memref<1x80xi32, #tpu.memory_space<hbm>> -> memref<80xi32, #tpu.memory_space<hbm>>
      %dma_wait3A_286 = arith.constant 0 : i32
      %dma_wait3A_287 = tpu.memref_slice %arg4[%add3A_282, %dma_wait3A_286] : memref<4000x80xi32, #tpu.memory_space<hbm>> -> memref<1x80xi32, #tpu.memory_space<hbm>>
      %dma_wait3A_288 = tpu.memref_squeeze %dma_wait3A_287 : memref<1x80xi32, #tpu.memory_space<hbm>> -> memref<80xi32, #tpu.memory_space<hbm>>
      tpu.wait_dma2 semaphore(%arg20 : memref<!tpu.dma_semaphore, #tpu.memory_space<semaphore_mem>>) src(%dma_wait3A_288 : memref<80xi32, #tpu.memory_space<hbm>>) dst(%arg10 : memref<80xi32, #tpu.memory_space<vmem>>)
      %dma_start3A_289 = arith.constant 0 : i32
      %dma_start3A_290 = arith.constant 0 : i32
      %dma_start3A_291 = tpu.memref_slice %arg15[%dma_start3A_289, %dma_start3A_290] : memref<10240x128xf32, #tpu.memory_space<vmem_shared>> -> memref<10240x128xf32, #tpu.memory_space<vmem_shared>>
      tpu.enqueue_indirect_dma source(%arg13 : memref<80x128xf32, #tpu.memory_space<vmem>>) target(%dma_start3A_291 : memref<10240x128xf32, #tpu.memory_space<vmem_shared>>) offsets(%arg10 : memref<80xi32, #tpu.memory_space<vmem>>) semaphore(%arg29 : memref<!tpu.dma_semaphore, #tpu.memory_space<semaphore_mem>>) {add = true}
      %add3A_292 = arith.constant 3 : i32
      %add3A_293 = arith.addi %add3A_265, %add3A_292 : i32
      %lt3A_294 = arith.constant 125 : i32
      %lt3A_295 = arith.cmpi slt, %add3A_293, %lt3A_294 : i32
      %convert_element_type3A_296 = arith.extui %lt3A_295 : i1 to i32
      %cond3A_297 = arith.constant 0 : i32
      %cond3A_298 = arith.cmpi ne, %convert_element_type3A_296, %cond3A_297 : i32
      scf.if %cond3A_298 {
        %add3A_370 = arith.addi %mul3A_2, %add3A_265 : i32
        %add3A_371 = arith.constant 3 : i32
        %add3A_372 = arith.addi %add3A_370, %add3A_371 : i32
        %dma_start3A_373 = arith.constant 0 : i32
        %dma_start3A_374 = tpu.memref_slice %arg3[%add3A_372, %dma_start3A_373] : memref<4000x80xi32, #tpu.memory_space<hbm>> -> memref<1x80xi32, #tpu.memory_space<hbm>>
        %dma_start3A_375 = tpu.memref_squeeze %dma_start3A_374 : memref<1x80xi32, #tpu.memory_space<hbm>> -> memref<80xi32, #tpu.memory_space<hbm>>
        %dma_start3A_376 = arith.constant 0 : i32
        %dma_start3A_377 = tpu.memref_slice %arg3[%add3A_372, %dma_start3A_376] : memref<4000x80xi32, #tpu.memory_space<hbm>> -> memref<1x80xi32, #tpu.memory_space<hbm>>
        %dma_start3A_378 = tpu.memref_squeeze %dma_start3A_377 : memref<1x80xi32, #tpu.memory_space<hbm>> -> memref<80xi32, #tpu.memory_space<hbm>>
        tpu.enqueue_dma source(%dma_start3A_378 : memref<80xi32, #tpu.memory_space<hbm>>) target(%arg7 : memref<80xi32, #tpu.memory_space<vmem>>) target_semaphore(%arg17 : memref<!tpu.dma_semaphore, #tpu.memory_space<semaphore_mem>>)
      } else {
      }
      %add3A_299 = arith.constant 2 : i32
      %add3A_300 = arith.addi %mul3A_231, %add3A_299 : i32
      %dma_wait3A_301 = arith.constant 0 : i32
      %dma_wait3A_302 = arith.constant 0 : i32
      %dma_wait3A_303 = tpu.memref_slice %arg14[%dma_wait3A_301, %dma_wait3A_302] : memref<80x128xf32, #tpu.memory_space<vmem>> -> memref<40x128xf32, #tpu.memory_space<vmem>>
      %dma_wait3A_304 = arith.constant 0 : i32
      %dma_wait3A_305 = tpu.memref_slice %arg8[%dma_wait3A_304] : memref<80xi32, #tpu.memory_space<vmem>> -> memref<40xi32, #tpu.memory_space<vmem>>
      %dma_wait3A_306 = arith.constant 0 : i32
      %dma_wait3A_307 = arith.constant 0 : i32
      %dma_wait3A_308 = tpu.memref_slice %arg2[%dma_wait3A_306, %dma_wait3A_307] : memref<10000x128xf32, #tpu.memory_space<hbm>> -> memref<10000x128xf32, #tpu.memory_space<hbm>>
      tpu.wait_indirect_dma semaphore(%arg24 : memref<!tpu.dma_semaphore, #tpu.memory_space<semaphore_mem>>) src(%dma_wait3A_308 : memref<10000x128xf32, #tpu.memory_space<hbm>>) dst(%dma_wait3A_303 : memref<40x128xf32, #tpu.memory_space<vmem>>)
      %dma_wait3A_309 = arith.constant 40 : i32
      %dma_wait3A_310 = arith.constant 0 : i32
      %dma_wait3A_311 = tpu.memref_slice %arg14[%dma_wait3A_309, %dma_wait3A_310] : memref<80x128xf32, #tpu.memory_space<vmem>> -> memref<40x128xf32, #tpu.memory_space<vmem>>
      %dma_wait3A_312 = arith.constant 40 : i32
      %dma_wait3A_313 = tpu.memref_slice %arg8[%dma_wait3A_312] : memref<80xi32, #tpu.memory_space<vmem>> -> memref<40xi32, #tpu.memory_space<vmem>>
      %dma_wait3A_314 = arith.constant 0 : i32
      %dma_wait3A_315 = arith.constant 0 : i32
      %dma_wait3A_316 = tpu.memref_slice %arg2[%dma_wait3A_314, %dma_wait3A_315] : memref<10000x128xf32, #tpu.memory_space<hbm>> -> memref<10000x128xf32, #tpu.memory_space<hbm>>
      tpu.wait_indirect_dma semaphore(%arg27 : memref<!tpu.dma_semaphore, #tpu.memory_space<semaphore_mem>>) src(%dma_wait3A_316 : memref<10000x128xf32, #tpu.memory_space<hbm>>) dst(%dma_wait3A_311 : memref<40x128xf32, #tpu.memory_space<vmem>>)
      %add3A_317 = arith.addi %mul3A_2, %add3A_300 : i32
      %dma_wait3A_318 = arith.constant 0 : i32
      %dma_wait3A_319 = tpu.memref_slice %arg4[%add3A_317, %dma_wait3A_318] : memref<4000x80xi32, #tpu.memory_space<hbm>> -> memref<1x80xi32, #tpu.memory_space<hbm>>
      %dma_wait3A_320 = tpu.memref_squeeze %dma_wait3A_319 : memref<1x80xi32, #tpu.memory_space<hbm>> -> memref<80xi32, #tpu.memory_space<hbm>>
      %dma_wait3A_321 = arith.constant 0 : i32
      %dma_wait3A_322 = tpu.memref_slice %arg4[%add3A_317, %dma_wait3A_321] : memref<4000x80xi32, #tpu.memory_space<hbm>> -> memref<1x80xi32, #tpu.memory_space<hbm>>
      %dma_wait3A_323 = tpu.memref_squeeze %dma_wait3A_322 : memref<1x80xi32, #tpu.memory_space<hbm>> -> memref<80xi32, #tpu.memory_space<hbm>>
      tpu.wait_dma2 semaphore(%arg21 : memref<!tpu.dma_semaphore, #tpu.memory_space<semaphore_mem>>) src(%dma_wait3A_323 : memref<80xi32, #tpu.memory_space<hbm>>) dst(%arg11 : memref<80xi32, #tpu.memory_space<vmem>>)
      %dma_start3A_324 = arith.constant 0 : i32
      %dma_start3A_325 = arith.constant 0 : i32
      %dma_start3A_326 = tpu.memref_slice %arg15[%dma_start3A_324, %dma_start3A_325] : memref<10240x128xf32, #tpu.memory_space<vmem_shared>> -> memref<10240x128xf32, #tpu.memory_space<vmem_shared>>
      tpu.enqueue_indirect_dma source(%arg14 : memref<80x128xf32, #tpu.memory_space<vmem>>) target(%dma_start3A_326 : memref<10240x128xf32, #tpu.memory_space<vmem_shared>>) offsets(%arg11 : memref<80xi32, #tpu.memory_space<vmem>>) semaphore(%arg30 : memref<!tpu.dma_semaphore, #tpu.memory_space<semaphore_mem>>) {add = true}
      %add3A_327 = arith.constant 3 : i32
      %add3A_328 = arith.addi %add3A_300, %add3A_327 : i32
      %lt3A_329 = arith.constant 125 : i32
      %lt3A_330 = arith.cmpi slt, %add3A_328, %lt3A_329 : i32
      %convert_element_type3A_331 = arith.extui %lt3A_330 : i1 to i32
      %cond3A_332 = arith.constant 0 : i32
      %cond3A_333 = arith.cmpi ne, %convert_element_type3A_331, %cond3A_332 : i32
      scf.if %cond3A_333 {
        %add3A_370 = arith.addi %mul3A_2, %add3A_300 : i32
        %add3A_371 = arith.constant 3 : i32
        %add3A_372 = arith.addi %add3A_370, %add3A_371 : i32
        %dma_start3A_373 = arith.constant 0 : i32
        %dma_start3A_374 = tpu.memref_slice %arg3[%add3A_372, %dma_start3A_373] : memref<4000x80xi32, #tpu.memory_space<hbm>> -> memref<1x80xi32, #tpu.memory_space<hbm>>
        %dma_start3A_375 = tpu.memref_squeeze %dma_start3A_374 : memref<1x80xi32, #tpu.memory_space<hbm>> -> memref<80xi32, #tpu.memory_space<hbm>>
        %dma_start3A_376 = arith.constant 0 : i32
        %dma_start3A_377 = tpu.memref_slice %arg3[%add3A_372, %dma_start3A_376] : memref<4000x80xi32, #tpu.memory_space<hbm>> -> memref<1x80xi32, #tpu.memory_space<hbm>>
        %dma_start3A_378 = tpu.memref_squeeze %dma_start3A_377 : memref<1x80xi32, #tpu.memory_space<hbm>> -> memref<80xi32, #tpu.memory_space<hbm>>
        tpu.enqueue_dma source(%dma_start3A_378 : memref<80xi32, #tpu.memory_space<hbm>>) target(%arg8 : memref<80xi32, #tpu.memory_space<vmem>>) target_semaphore(%arg18 : memref<!tpu.dma_semaphore, #tpu.memory_space<semaphore_mem>>)
      } else {
      }
      %add3A_334 = arith.constant 0 : i32
      %add3A_335 = arith.addi %mul3A_231, %add3A_334 : i32
      %dma_wait3A_336 = arith.constant 0 : i32
      %dma_wait3A_337 = arith.constant 0 : i32
      %dma_wait3A_338 = tpu.memref_slice %arg15[%dma_wait3A_336, %dma_wait3A_337] : memref<10240x128xf32, #tpu.memory_space<vmem_shared>> -> memref<10240x128xf32, #tpu.memory_space<vmem_shared>>
      tpu.wait_indirect_dma semaphore(%arg28 : memref<!tpu.dma_semaphore, #tpu.memory_space<semaphore_mem>>) src(%arg12 : memref<80x128xf32, #tpu.memory_space<vmem>>) dst(%dma_wait3A_338 : memref<10240x128xf32, #tpu.memory_space<vmem_shared>>)
      %add3A_339 = arith.constant 3 : i32
      %add3A_340 = arith.addi %add3A_335, %add3A_339 : i32
      %lt3A_341 = arith.constant 125 : i32
      %lt3A_342 = arith.cmpi slt, %add3A_340, %lt3A_341 : i32
      %convert_element_type3A_343 = arith.extui %lt3A_342 : i1 to i32
      %cond3A_344 = arith.constant 0 : i32
      %cond3A_345 = arith.cmpi ne, %convert_element_type3A_343, %cond3A_344 : i32
      scf.if %cond3A_345 {
        %add3A_370 = arith.addi %mul3A_2, %add3A_335 : i32
        %add3A_371 = arith.constant 3 : i32
        %add3A_372 = arith.addi %add3A_370, %add3A_371 : i32
        %dma_start3A_373 = arith.constant 0 : i32
        %dma_start3A_374 = tpu.memref_slice %arg4[%add3A_372, %dma_start3A_373] : memref<4000x80xi32, #tpu.memory_space<hbm>> -> memref<1x80xi32, #tpu.memory_space<hbm>>
        %dma_start3A_375 = tpu.memref_squeeze %dma_start3A_374 : memref<1x80xi32, #tpu.memory_space<hbm>> -> memref<80xi32, #tpu.memory_space<hbm>>
        %dma_start3A_376 = arith.constant 0 : i32
        %dma_start3A_377 = tpu.memref_slice %arg4[%add3A_372, %dma_start3A_376] : memref<4000x80xi32, #tpu.memory_space<hbm>> -> memref<1x80xi32, #tpu.memory_space<hbm>>
        %dma_start3A_378 = tpu.memref_squeeze %dma_start3A_377 : memref<1x80xi32, #tpu.memory_space<hbm>> -> memref<80xi32, #tpu.memory_space<hbm>>
        tpu.enqueue_dma source(%dma_start3A_378 : memref<80xi32, #tpu.memory_space<hbm>>) target(%arg9 : memref<80xi32, #tpu.memory_space<vmem>>) target_semaphore(%arg19 : memref<!tpu.dma_semaphore, #tpu.memory_space<semaphore_mem>>)
        %add3A_379 = arith.addi %mul3A_2, %add3A_335 : i32
        %add3A_380 = arith.constant 3 : i32
        %add3A_381 = arith.addi %add3A_379, %add3A_380 : i32
        %dma_wait3A_382 = arith.constant 0 : i32
        %dma_wait3A_383 = tpu.memref_slice %arg3[%add3A_381, %dma_wait3A_382] : memref<4000x80xi32, #tpu.memory_space<hbm>> -> memref<1x80xi32, #tpu.memory_space<hbm>>
        %dma_wait3A_384 = tpu.memref_squeeze %dma_wait3A_383 : memref<1x80xi32, #tpu.memory_space<hbm>> -> memref<80xi32, #tpu.memory_space<hbm>>
        %dma_wait3A_385 = arith.constant 0 : i32
        %dma_wait3A_386 = tpu.memref_slice %arg3[%add3A_381, %dma_wait3A_385] : memref<4000x80xi32, #tpu.memory_space<hbm>> -> memref<1x80xi32, #tpu.memory_space<hbm>>
        %dma_wait3A_387 = tpu.memref_squeeze %dma_wait3A_386 : memref<1x80xi32, #tpu.memory_space<hbm>> -> memref<80xi32, #tpu.memory_space<hbm>>
        tpu.wait_dma2 semaphore(%arg16 : memref<!tpu.dma_semaphore, #tpu.memory_space<semaphore_mem>>) src(%dma_wait3A_387 : memref<80xi32, #tpu.memory_space<hbm>>) dst(%arg6 : memref<80xi32, #tpu.memory_space<vmem>>)
        %dma_start3A_388 = arith.constant 0 : i32
        %dma_start3A_389 = arith.constant 0 : i32
        %dma_start3A_390 = tpu.memref_slice %arg12[%dma_start3A_388, %dma_start3A_389] : memref<80x128xf32, #tpu.memory_space<vmem>> -> memref<40x128xf32, #tpu.memory_space<vmem>>
        %dma_start3A_391 = arith.constant 0 : i32
        %dma_start3A_392 = tpu.memref_slice %arg6[%dma_start3A_391] : memref<80xi32, #tpu.memory_space<vmem>> -> memref<40xi32, #tpu.memory_space<vmem>>
        %dma_start3A_393 = arith.constant 0 : i32
        %dma_start3A_394 = arith.constant 0 : i32
        %dma_start3A_395 = tpu.memref_slice %arg2[%dma_start3A_393, %dma_start3A_394] : memref<10000x128xf32, #tpu.memory_space<hbm>> -> memref<10000x128xf32, #tpu.memory_space<hbm>>
        tpu.enqueue_indirect_dma source(%dma_start3A_395 : memref<10000x128xf32, #tpu.memory_space<hbm>>) target(%dma_start3A_390 : memref<40x128xf32, #tpu.memory_space<vmem>>) offsets(%dma_start3A_392 : memref<40xi32, #tpu.memory_space<vmem>>) semaphore(%arg22 : memref<!tpu.dma_semaphore, #tpu.memory_space<semaphore_mem>>)
        %dma_start3A_396 = arith.constant 40 : i32
        %dma_start3A_397 = arith.constant 0 : i32
        %dma_start3A_398 = tpu.memref_slice %arg12[%dma_start3A_396, %dma_start3A_397] : memref<80x128xf32, #tpu.memory_space<vmem>> -> memref<40x128xf32, #tpu.memory_space<vmem>>
        %dma_start3A_399 = arith.constant 40 : i32
        %dma_start3A_400 = tpu.memref_slice %arg6[%dma_start3A_399] : memref<80xi32, #tpu.memory_space<vmem>> -> memref<40xi32, #tpu.memory_space<vmem>>
        %dma_start3A_401 = arith.constant 0 : i32
        %dma_start3A_402 = arith.constant 0 : i32
        %dma_start3A_403 = tpu.memref_slice %arg2[%dma_start3A_401, %dma_start3A_402] : memref<10000x128xf32, #tpu.memory_space<hbm>> -> memref<10000x128xf32, #tpu.memory_space<hbm>>
        tpu.enqueue_indirect_dma source(%dma_start3A_403 : memref<10000x128xf32, #tpu.memory_space<hbm>>) target(%dma_start3A_398 : memref<40x128xf32, #tpu.memory_space<vmem>>) offsets(%dma_start3A_400 : memref<40xi32, #tpu.memory_space<vmem>>) semaphore(%arg25 : memref<!tpu.dma_semaphore, #tpu.memory_space<semaphore_mem>>)
      } else {
      }
      %add3A_346 = arith.constant 1 : i32
      %add3A_347 = arith.addi %mul3A_231, %add3A_346 : i32
      %dma_wait3A_348 = arith.constant 0 : i32
      %dma_wait3A_349 = arith.constant 0 : i32
      %dma_wait3A_350 = tpu.memref_slice %arg15[%dma_wait3A_348, %dma_wait3A_349] : memref<10240x128xf32, #tpu.memory_space<vmem_shared>> -> memref<10240x128xf32, #tpu.memory_space<vmem_shared>>
      tpu.wait_indirect_dma semaphore(%arg29 : memref<!tpu.dma_semaphore, #tpu.memory_space<semaphore_mem>>) src(%arg13 : memref<80x128xf32, #tpu.memory_space<vmem>>) dst(%dma_wait3A_350 : memref<10240x128xf32, #tpu.memory_space<vmem_shared>>)
      %add3A_351 = arith.constant 3 : i32
      %add3A_352 = arith.addi %add3A_347, %add3A_351 : i32
      %lt3A_353 = arith.constant 125 : i32
      %lt3A_354 = arith.cmpi slt, %add3A_352, %lt3A_353 : i32
      %convert_element_type3A_355 = arith.extui %lt3A_354 : i1 to i32
      %cond3A_356 = arith.constant 0 : i32
      %cond3A_357 = arith.cmpi ne, %convert_element_type3A_355, %cond3A_356 : i32
      scf.if %cond3A_357 {
        %add3A_370 = arith.addi %mul3A_2, %add3A_347 : i32
        %add3A_371 = arith.constant 3 : i32
        %add3A_372 = arith.addi %add3A_370, %add3A_371 : i32
        %dma_start3A_373 = arith.constant 0 : i32
        %dma_start3A_374 = tpu.memref_slice %arg4[%add3A_372, %dma_start3A_373] : memref<4000x80xi32, #tpu.memory_space<hbm>> -> memref<1x80xi32, #tpu.memory_space<hbm>>
        %dma_start3A_375 = tpu.memref_squeeze %dma_start3A_374 : memref<1x80xi32, #tpu.memory_space<hbm>> -> memref<80xi32, #tpu.memory_space<hbm>>
        %dma_start3A_376 = arith.constant 0 : i32
        %dma_start3A_377 = tpu.memref_slice %arg4[%add3A_372, %dma_start3A_376] : memref<4000x80xi32, #tpu.memory_space<hbm>> -> memref<1x80xi32, #tpu.memory_space<hbm>>
        %dma_start3A_378 = tpu.memref_squeeze %dma_start3A_377 : memref<1x80xi32, #tpu.memory_space<hbm>> -> memref<80xi32, #tpu.memory_space<hbm>>
        tpu.enqueue_dma source(%dma_start3A_378 : memref<80xi32, #tpu.memory_space<hbm>>) target(%arg10 : memref<80xi32, #tpu.memory_space<vmem>>) target_semaphore(%arg20 : memref<!tpu.dma_semaphore, #tpu.memory_space<semaphore_mem>>)
        %add3A_379 = arith.addi %mul3A_2, %add3A_347 : i32
        %add3A_380 = arith.constant 3 : i32
        %add3A_381 = arith.addi %add3A_379, %add3A_380 : i32
        %dma_wait3A_382 = arith.constant 0 : i32
        %dma_wait3A_383 = tpu.memref_slice %arg3[%add3A_381, %dma_wait3A_382] : memref<4000x80xi32, #tpu.memory_space<hbm>> -> memref<1x80xi32, #tpu.memory_space<hbm>>
        %dma_wait3A_384 = tpu.memref_squeeze %dma_wait3A_383 : memref<1x80xi32, #tpu.memory_space<hbm>> -> memref<80xi32, #tpu.memory_space<hbm>>
        %dma_wait3A_385 = arith.constant 0 : i32
        %dma_wait3A_386 = tpu.memref_slice %arg3[%add3A_381, %dma_wait3A_385] : memref<4000x80xi32, #tpu.memory_space<hbm>> -> memref<1x80xi32, #tpu.memory_space<hbm>>
        %dma_wait3A_387 = tpu.memref_squeeze %dma_wait3A_386 : memref<1x80xi32, #tpu.memory_space<hbm>> -> memref<80xi32, #tpu.memory_space<hbm>>
        tpu.wait_dma2 semaphore(%arg17 : memref<!tpu.dma_semaphore, #tpu.memory_space<semaphore_mem>>) src(%dma_wait3A_387 : memref<80xi32, #tpu.memory_space<hbm>>) dst(%arg7 : memref<80xi32, #tpu.memory_space<vmem>>)
        %dma_start3A_388 = arith.constant 0 : i32
        %dma_start3A_389 = arith.constant 0 : i32
        %dma_start3A_390 = tpu.memref_slice %arg13[%dma_start3A_388, %dma_start3A_389] : memref<80x128xf32, #tpu.memory_space<vmem>> -> memref<40x128xf32, #tpu.memory_space<vmem>>
        %dma_start3A_391 = arith.constant 0 : i32
        %dma_start3A_392 = tpu.memref_slice %arg7[%dma_start3A_391] : memref<80xi32, #tpu.memory_space<vmem>> -> memref<40xi32, #tpu.memory_space<vmem>>
        %dma_start3A_393 = arith.constant 0 : i32
        %dma_start3A_394 = arith.constant 0 : i32
        %dma_start3A_395 = tpu.memref_slice %arg2[%dma_start3A_393, %dma_start3A_394] : memref<10000x128xf32, #tpu.memory_space<hbm>> -> memref<10000x128xf32, #tpu.memory_space<hbm>>
        tpu.enqueue_indirect_dma source(%dma_start3A_395 : memref<10000x128xf32, #tpu.memory_space<hbm>>) target(%dma_start3A_390 : memref<40x128xf32, #tpu.memory_space<vmem>>) offsets(%dma_start3A_392 : memref<40xi32, #tpu.memory_space<vmem>>) semaphore(%arg23 : memref<!tpu.dma_semaphore, #tpu.memory_space<semaphore_mem>>)
        %dma_start3A_396 = arith.constant 40 : i32
        %dma_start3A_397 = arith.constant 0 : i32
        %dma_start3A_398 = tpu.memref_slice %arg13[%dma_start3A_396, %dma_start3A_397] : memref<80x128xf32, #tpu.memory_space<vmem>> -> memref<40x128xf32, #tpu.memory_space<vmem>>
        %dma_start3A_399 = arith.constant 40 : i32
        %dma_start3A_400 = tpu.memref_slice %arg7[%dma_start3A_399] : memref<80xi32, #tpu.memory_space<vmem>> -> memref<40xi32, #tpu.memory_space<vmem>>
        %dma_start3A_401 = arith.constant 0 : i32
        %dma_start3A_402 = arith.constant 0 : i32
        %dma_start3A_403 = tpu.memref_slice %arg2[%dma_start3A_401, %dma_start3A_402] : memref<10000x128xf32, #tpu.memory_space<hbm>> -> memref<10000x128xf32, #tpu.memory_space<hbm>>
        tpu.enqueue_indirect_dma source(%dma_start3A_403 : memref<10000x128xf32, #tpu.memory_space<hbm>>) target(%dma_start3A_398 : memref<40x128xf32, #tpu.memory_space<vmem>>) offsets(%dma_start3A_400 : memref<40xi32, #tpu.memory_space<vmem>>) semaphore(%arg26 : memref<!tpu.dma_semaphore, #tpu.memory_space<semaphore_mem>>)
      } else {
      }
      %add3A_358 = arith.constant 2 : i32
      %add3A_359 = arith.addi %mul3A_231, %add3A_358 : i32
      %dma_wait3A_360 = arith.constant 0 : i32
      %dma_wait3A_361 = arith.constant 0 : i32
      %dma_wait3A_362 = tpu.memref_slice %arg15[%dma_wait3A_360, %dma_wait3A_361] : memref<10240x128xf32, #tpu.memory_space<vmem_shared>> -> memref<10240x128xf32, #tpu.memory_space<vmem_shared>>
      tpu.wait_indirect_dma semaphore(%arg30 : memref<!tpu.dma_semaphore, #tpu.memory_space<semaphore_mem>>) src(%arg14 : memref<80x128xf32, #tpu.memory_space<vmem>>) dst(%dma_wait3A_362 : memref<10240x128xf32, #tpu.memory_space<vmem_shared>>)
      %add3A_363 = arith.constant 3 : i32
      %add3A_364 = arith.addi %add3A_359, %add3A_363 : i32
      %lt3A_365 = arith.constant 125 : i32
      %lt3A_366 = arith.cmpi slt, %add3A_364, %lt3A_365 : i32
      %convert_element_type3A_367 = arith.extui %lt3A_366 : i1 to i32
      %cond3A_368 = arith.constant 0 : i32
      %cond3A_369 = arith.cmpi ne, %convert_element_type3A_367, %cond3A_368 : i32
      scf.if %cond3A_369 {
        %add3A_370 = arith.addi %mul3A_2, %add3A_359 : i32
        %add3A_371 = arith.constant 3 : i32
        %add3A_372 = arith.addi %add3A_370, %add3A_371 : i32
        %dma_start3A_373 = arith.constant 0 : i32
        %dma_start3A_374 = tpu.memref_slice %arg4[%add3A_372, %dma_start3A_373] : memref<4000x80xi32, #tpu.memory_space<hbm>> -> memref<1x80xi32, #tpu.memory_space<hbm>>
        %dma_start3A_375 = tpu.memref_squeeze %dma_start3A_374 : memref<1x80xi32, #tpu.memory_space<hbm>> -> memref<80xi32, #tpu.memory_space<hbm>>
        %dma_start3A_376 = arith.constant 0 : i32
        %dma_start3A_377 = tpu.memref_slice %arg4[%add3A_372, %dma_start3A_376] : memref<4000x80xi32, #tpu.memory_space<hbm>> -> memref<1x80xi32, #tpu.memory_space<hbm>>
        %dma_start3A_378 = tpu.memref_squeeze %dma_start3A_377 : memref<1x80xi32, #tpu.memory_space<hbm>> -> memref<80xi32, #tpu.memory_space<hbm>>
        tpu.enqueue_dma source(%dma_start3A_378 : memref<80xi32, #tpu.memory_space<hbm>>) target(%arg11 : memref<80xi32, #tpu.memory_space<vmem>>) target_semaphore(%arg21 : memref<!tpu.dma_semaphore, #tpu.memory_space<semaphore_mem>>)
        %add3A_379 = arith.addi %mul3A_2, %add3A_359 : i32
        %add3A_380 = arith.constant 3 : i32
        %add3A_381 = arith.addi %add3A_379, %add3A_380 : i32
        %dma_wait3A_382 = arith.constant 0 : i32
        %dma_wait3A_383 = tpu.memref_slice %arg3[%add3A_381, %dma_wait3A_382] : memref<4000x80xi32, #tpu.memory_space<hbm>> -> memref<1x80xi32, #tpu.memory_space<hbm>>
        %dma_wait3A_384 = tpu.memref_squeeze %dma_wait3A_383 : memref<1x80xi32, #tpu.memory_space<hbm>> -> memref<80xi32, #tpu.memory_space<hbm>>
        %dma_wait3A_385 = arith.constant 0 : i32
        %dma_wait3A_386 = tpu.memref_slice %arg3[%add3A_381, %dma_wait3A_385] : memref<4000x80xi32, #tpu.memory_space<hbm>> -> memref<1x80xi32, #tpu.memory_space<hbm>>
        %dma_wait3A_387 = tpu.memref_squeeze %dma_wait3A_386 : memref<1x80xi32, #tpu.memory_space<hbm>> -> memref<80xi32, #tpu.memory_space<hbm>>
        tpu.wait_dma2 semaphore(%arg18 : memref<!tpu.dma_semaphore, #tpu.memory_space<semaphore_mem>>) src(%dma_wait3A_387 : memref<80xi32, #tpu.memory_space<hbm>>) dst(%arg8 : memref<80xi32, #tpu.memory_space<vmem>>)
        %dma_start3A_388 = arith.constant 0 : i32
        %dma_start3A_389 = arith.constant 0 : i32
        %dma_start3A_390 = tpu.memref_slice %arg14[%dma_start3A_388, %dma_start3A_389] : memref<80x128xf32, #tpu.memory_space<vmem>> -> memref<40x128xf32, #tpu.memory_space<vmem>>
        %dma_start3A_391 = arith.constant 0 : i32
        %dma_start3A_392 = tpu.memref_slice %arg8[%dma_start3A_391] : memref<80xi32, #tpu.memory_space<vmem>> -> memref<40xi32, #tpu.memory_space<vmem>>
        %dma_start3A_393 = arith.constant 0 : i32
        %dma_start3A_394 = arith.constant 0 : i32
        %dma_start3A_395 = tpu.memref_slice %arg2[%dma_start3A_393, %dma_start3A_394] : memref<10000x128xf32, #tpu.memory_space<hbm>> -> memref<10000x128xf32, #tpu.memory_space<hbm>>
        tpu.enqueue_indirect_dma source(%dma_start3A_395 : memref<10000x128xf32, #tpu.memory_space<hbm>>) target(%dma_start3A_390 : memref<40x128xf32, #tpu.memory_space<vmem>>) offsets(%dma_start3A_392 : memref<40xi32, #tpu.memory_space<vmem>>) semaphore(%arg24 : memref<!tpu.dma_semaphore, #tpu.memory_space<semaphore_mem>>)
        %dma_start3A_396 = arith.constant 40 : i32
        %dma_start3A_397 = arith.constant 0 : i32
        %dma_start3A_398 = tpu.memref_slice %arg14[%dma_start3A_396, %dma_start3A_397] : memref<80x128xf32, #tpu.memory_space<vmem>> -> memref<40x128xf32, #tpu.memory_space<vmem>>
        %dma_start3A_399 = arith.constant 40 : i32
        %dma_start3A_400 = tpu.memref_slice %arg8[%dma_start3A_399] : memref<80xi32, #tpu.memory_space<vmem>> -> memref<40xi32, #tpu.memory_space<vmem>>
        %dma_start3A_401 = arith.constant 0 : i32
        %dma_start3A_402 = arith.constant 0 : i32
        %dma_start3A_403 = tpu.memref_slice %arg2[%dma_start3A_401, %dma_start3A_402] : memref<10000x128xf32, #tpu.memory_space<hbm>> -> memref<10000x128xf32, #tpu.memory_space<hbm>>
        tpu.enqueue_indirect_dma source(%dma_start3A_403 : memref<10000x128xf32, #tpu.memory_space<hbm>>) target(%dma_start3A_398 : memref<40x128xf32, #tpu.memory_space<vmem>>) offsets(%dma_start3A_400 : memref<40xi32, #tpu.memory_space<vmem>>) semaphore(%arg27 : memref<!tpu.dma_semaphore, #tpu.memory_space<semaphore_mem>>)
      } else {
      }
    }
    %scan3A_163 = arith.constant 41 : i32
    %dma_wait3A_164 = arith.constant 0 : i32
    %dma_wait3A_165 = arith.constant 0 : i32
    %dma_wait3A_166 = tpu.memref_slice %arg12[%dma_wait3A_164, %dma_wait3A_165] : memref<80x128xf32, #tpu.memory_space<vmem>> -> memref<40x128xf32, #tpu.memory_space<vmem>>
    %dma_wait3A_167 = arith.constant 0 : i32
    %dma_wait3A_168 = tpu.memref_slice %arg6[%dma_wait3A_167] : memref<80xi32, #tpu.memory_space<vmem>> -> memref<40xi32, #tpu.memory_space<vmem>>
    %dma_wait3A_169 = arith.constant 0 : i32
    %dma_wait3A_170 = arith.constant 0 : i32
    %dma_wait3A_171 = tpu.memref_slice %arg2[%dma_wait3A_169, %dma_wait3A_170] : memref<10000x128xf32, #tpu.memory_space<hbm>> -> memref<10000x128xf32, #tpu.memory_space<hbm>>
    tpu.wait_indirect_dma semaphore(%arg22 : memref<!tpu.dma_semaphore, #tpu.memory_space<semaphore_mem>>) src(%dma_wait3A_171 : memref<10000x128xf32, #tpu.memory_space<hbm>>) dst(%dma_wait3A_166 : memref<40x128xf32, #tpu.memory_space<vmem>>)
    %dma_wait3A_172 = arith.constant 40 : i32
    %dma_wait3A_173 = arith.constant 0 : i32
    %dma_wait3A_174 = tpu.memref_slice %arg12[%dma_wait3A_172, %dma_wait3A_173] : memref<80x128xf32, #tpu.memory_space<vmem>> -> memref<40x128xf32, #tpu.memory_space<vmem>>
    %dma_wait3A_175 = arith.constant 40 : i32
    %dma_wait3A_176 = tpu.memref_slice %arg6[%dma_wait3A_175] : memref<80xi32, #tpu.memory_space<vmem>> -> memref<40xi32, #tpu.memory_space<vmem>>
    %dma_wait3A_177 = arith.constant 0 : i32
    %dma_wait3A_178 = arith.constant 0 : i32
    %dma_wait3A_179 = tpu.memref_slice %arg2[%dma_wait3A_177, %dma_wait3A_178] : memref<10000x128xf32, #tpu.memory_space<hbm>> -> memref<10000x128xf32, #tpu.memory_space<hbm>>
    tpu.wait_indirect_dma semaphore(%arg25 : memref<!tpu.dma_semaphore, #tpu.memory_space<semaphore_mem>>) src(%dma_wait3A_179 : memref<10000x128xf32, #tpu.memory_space<hbm>>) dst(%dma_wait3A_174 : memref<40x128xf32, #tpu.memory_space<vmem>>)
    %add3A_180 = arith.constant 123 : i32
    %add3A_181 = arith.addi %mul3A_2, %add3A_180 : i32
    %dma_wait3A_182 = arith.constant 0 : i32
    %dma_wait3A_183 = tpu.memref_slice %arg4[%add3A_181, %dma_wait3A_182] : memref<4000x80xi32, #tpu.memory_space<hbm>> -> memref<1x80xi32, #tpu.memory_space<hbm>>
    %dma_wait3A_184 = tpu.memref_squeeze %dma_wait3A_183 : memref<1x80xi32, #tpu.memory_space<hbm>> -> memref<80xi32, #tpu.memory_space<hbm>>
    %dma_wait3A_185 = arith.constant 0 : i32
    %dma_wait3A_186 = tpu.memref_slice %arg4[%add3A_181, %dma_wait3A_185] : memref<4000x80xi32, #tpu.memory_space<hbm>> -> memref<1x80xi32, #tpu.memory_space<hbm>>
    %dma_wait3A_187 = tpu.memref_squeeze %dma_wait3A_186 : memref<1x80xi32, #tpu.memory_space<hbm>> -> memref<80xi32, #tpu.memory_space<hbm>>
    tpu.wait_dma2 semaphore(%arg19 : memref<!tpu.dma_semaphore, #tpu.memory_space<semaphore_mem>>) src(%dma_wait3A_187 : memref<80xi32, #tpu.memory_space<hbm>>) dst(%arg9 : memref<80xi32, #tpu.memory_space<vmem>>)
    %dma_start3A_188 = arith.constant 0 : i32
    %dma_start3A_189 = arith.constant 0 : i32
    %dma_start3A_190 = tpu.memref_slice %arg15[%dma_start3A_188, %dma_start3A_189] : memref<10240x128xf32, #tpu.memory_space<vmem_shared>> -> memref<10240x128xf32, #tpu.memory_space<vmem_shared>>
    tpu.enqueue_indirect_dma source(%arg12 : memref<80x128xf32, #tpu.memory_space<vmem>>) target(%dma_start3A_190 : memref<10240x128xf32, #tpu.memory_space<vmem_shared>>) offsets(%arg9 : memref<80xi32, #tpu.memory_space<vmem>>) semaphore(%arg28 : memref<!tpu.dma_semaphore, #tpu.memory_space<semaphore_mem>>) {add = true}
    %dma_wait3A_191 = arith.constant 0 : i32
    %dma_wait3A_192 = arith.constant 0 : i32
    %dma_wait3A_193 = tpu.memref_slice %arg15[%dma_wait3A_191, %dma_wait3A_192] : memref<10240x128xf32, #tpu.memory_space<vmem_shared>> -> memref<10240x128xf32, #tpu.memory_space<vmem_shared>>
    tpu.wait_indirect_dma semaphore(%arg28 : memref<!tpu.dma_semaphore, #tpu.memory_space<semaphore_mem>>) src(%arg12 : memref<80x128xf32, #tpu.memory_space<vmem>>) dst(%dma_wait3A_193 : memref<10240x128xf32, #tpu.memory_space<vmem_shared>>)
    %dma_wait3A_194 = arith.constant 0 : i32
    %dma_wait3A_195 = arith.constant 0 : i32
    %dma_wait3A_196 = tpu.memref_slice %arg13[%dma_wait3A_194, %dma_wait3A_195] : memref<80x128xf32, #tpu.memory_space<vmem>> -> memref<40x128xf32, #tpu.memory_space<vmem>>
    %dma_wait3A_197 = arith.constant 0 : i32
    %dma_wait3A_198 = tpu.memref_slice %arg7[%dma_wait3A_197] : memref<80xi32, #tpu.memory_space<vmem>> -> memref<40xi32, #tpu.memory_space<vmem>>
    %dma_wait3A_199 = arith.constant 0 : i32
    %dma_wait3A_200 = arith.constant 0 : i32
    %dma_wait3A_201 = tpu.memref_slice %arg2[%dma_wait3A_199, %dma_wait3A_200] : memref<10000x128xf32, #tpu.memory_space<hbm>> -> memref<10000x128xf32, #tpu.memory_space<hbm>>
    tpu.wait_indirect_dma semaphore(%arg23 : memref<!tpu.dma_semaphore, #tpu.memory_space<semaphore_mem>>) src(%dma_wait3A_201 : memref<10000x128xf32, #tpu.memory_space<hbm>>) dst(%dma_wait3A_196 : memref<40x128xf32, #tpu.memory_space<vmem>>)
    %dma_wait3A_202 = arith.constant 40 : i32
    %dma_wait3A_203 = arith.constant 0 : i32
    %dma_wait3A_204 = tpu.memref_slice %arg13[%dma_wait3A_202, %dma_wait3A_203] : memref<80x128xf32, #tpu.memory_space<vmem>> -> memref<40x128xf32, #tpu.memory_space<vmem>>
    %dma_wait3A_205 = arith.constant 40 : i32
    %dma_wait3A_206 = tpu.memref_slice %arg7[%dma_wait3A_205] : memref<80xi32, #tpu.memory_space<vmem>> -> memref<40xi32, #tpu.memory_space<vmem>>
    %dma_wait3A_207 = arith.constant 0 : i32
    %dma_wait3A_208 = arith.constant 0 : i32
    %dma_wait3A_209 = tpu.memref_slice %arg2[%dma_wait3A_207, %dma_wait3A_208] : memref<10000x128xf32, #tpu.memory_space<hbm>> -> memref<10000x128xf32, #tpu.memory_space<hbm>>
    tpu.wait_indirect_dma semaphore(%arg26 : memref<!tpu.dma_semaphore, #tpu.memory_space<semaphore_mem>>) src(%dma_wait3A_209 : memref<10000x128xf32, #tpu.memory_space<hbm>>) dst(%dma_wait3A_204 : memref<40x128xf32, #tpu.memory_space<vmem>>)
    %add3A_210 = arith.constant 124 : i32
    %add3A_211 = arith.addi %mul3A_2, %add3A_210 : i32
    %dma_wait3A_212 = arith.constant 0 : i32
    %dma_wait3A_213 = tpu.memref_slice %arg4[%add3A_211, %dma_wait3A_212] : memref<4000x80xi32, #tpu.memory_space<hbm>> -> memref<1x80xi32, #tpu.memory_space<hbm>>
    %dma_wait3A_214 = tpu.memref_squeeze %dma_wait3A_213 : memref<1x80xi32, #tpu.memory_space<hbm>> -> memref<80xi32, #tpu.memory_space<hbm>>
    %dma_wait3A_215 = arith.constant 0 : i32
    %dma_wait3A_216 = tpu.memref_slice %arg4[%add3A_211, %dma_wait3A_215] : memref<4000x80xi32, #tpu.memory_space<hbm>> -> memref<1x80xi32, #tpu.memory_space<hbm>>
    %dma_wait3A_217 = tpu.memref_squeeze %dma_wait3A_216 : memref<1x80xi32, #tpu.memory_space<hbm>> -> memref<80xi32, #tpu.memory_space<hbm>>
    tpu.wait_dma2 semaphore(%arg20 : memref<!tpu.dma_semaphore, #tpu.memory_space<semaphore_mem>>) src(%dma_wait3A_217 : memref<80xi32, #tpu.memory_space<hbm>>) dst(%arg10 : memref<80xi32, #tpu.memory_space<vmem>>)
    %dma_start3A_218 = arith.constant 0 : i32
    %dma_start3A_219 = arith.constant 0 : i32
    %dma_start3A_220 = tpu.memref_slice %arg15[%dma_start3A_218, %dma_start3A_219] : memref<10240x128xf32, #tpu.memory_space<vmem_shared>> -> memref<10240x128xf32, #tpu.memory_space<vmem_shared>>
    tpu.enqueue_indirect_dma source(%arg13 : memref<80x128xf32, #tpu.memory_space<vmem>>) target(%dma_start3A_220 : memref<10240x128xf32, #tpu.memory_space<vmem_shared>>) offsets(%arg10 : memref<80xi32, #tpu.memory_space<vmem>>) semaphore(%arg29 : memref<!tpu.dma_semaphore, #tpu.memory_space<semaphore_mem>>) {add = true}
    %dma_wait3A_221 = arith.constant 0 : i32
    %dma_wait3A_222 = arith.constant 0 : i32
    %dma_wait3A_223 = tpu.memref_slice %arg15[%dma_wait3A_221, %dma_wait3A_222] : memref<10240x128xf32, #tpu.memory_space<vmem_shared>> -> memref<10240x128xf32, #tpu.memory_space<vmem_shared>>
    tpu.wait_indirect_dma semaphore(%arg29 : memref<!tpu.dma_semaphore, #tpu.memory_space<semaphore_mem>>) src(%arg13 : memref<80x128xf32, #tpu.memory_space<vmem>>) dst(%dma_wait3A_223 : memref<10240x128xf32, #tpu.memory_space<vmem_shared>>)
    %barrier3A_224 = arith.constant 0 : index
    tpu.barrier barrier_id(%barrier3A_224)
    %mul3A_225 = arith.constant 640 : i32
    %mul3A_226 = arith.muli %arg1, %mul3A_225 : i32
    %mul3A_227 = arith.constant 640 : i32
    %mul3A_228 = arith.muli %arg1, %mul3A_227 : i32
    "tpu.region"() ({
      %run_scoped3A = tpu.sem_alloc : memref<!tpu.dma_semaphore, #tpu.memory_space<semaphore_mem>>
      %dma_start3A_229 = arith.constant 0 : i32
      %dma_start3A_230 = tpu.memref_slice %arg5[%arg0, %mul3A_228, %dma_start3A_229] : memref<2x10240x128xf32, #tpu.memory_space<hbm>> -> memref<1x640x128xf32, #tpu.memory_space<hbm>>
      %dma_start3A_231 = tpu.memref_squeeze %dma_start3A_230 : memref<1x640x128xf32, #tpu.memory_space<hbm>> -> memref<640x128xf32, #tpu.memory_space<hbm>>
      %dma_start3A_232 = arith.constant 0 : i32
      %dma_start3A_233 = tpu.memref_slice %arg15[%mul3A_226, %dma_start3A_232] : memref<10240x128xf32, #tpu.memory_space<vmem_shared>> -> memref<640x128xf32, #tpu.memory_space<vmem_shared>>
      tpu.enqueue_dma source(%dma_start3A_233 : memref<640x128xf32, #tpu.memory_space<vmem_shared>>) target(%dma_start3A_231 : memref<640x128xf32, #tpu.memory_space<hbm>>) target_semaphore(%run_scoped3A : memref<!tpu.dma_semaphore, #tpu.memory_space<semaphore_mem>>)
      %dma_wait3A_234 = arith.constant 0 : i32
      %dma_wait3A_235 = tpu.memref_slice %arg5[%arg0, %mul3A_228, %dma_wait3A_234] : memref<2x10240x128xf32, #tpu.memory_space<hbm>> -> memref<1x640x128xf32, #tpu.memory_space<hbm>>
      %dma_wait3A_236 = tpu.memref_squeeze %dma_wait3A_235 : memref<1x640x128xf32, #tpu.memory_space<hbm>> -> memref<640x128xf32, #tpu.memory_space<hbm>>
      %dma_wait3A_237 = arith.constant 0 : i32
      %dma_wait3A_238 = tpu.memref_slice %arg15[%mul3A_226, %dma_wait3A_237] : memref<10240x128xf32, #tpu.memory_space<vmem_shared>> -> memref<640x128xf32, #tpu.memory_space<vmem_shared>>
      tpu.wait_dma2 semaphore(%run_scoped3A : memref<!tpu.dma_semaphore, #tpu.memory_space<semaphore_mem>>) src(%dma_wait3A_238 : memref<640x128xf32, #tpu.memory_space<vmem_shared>>) dst(%dma_wait3A_236 : memref<640x128xf32, #tpu.memory_space<hbm>>)
      tpu.yield
    }) : () -> ()
    return
  }
}

module attributes {stable_mosaic.version = 14 : i64} {
  func.func @body(%arg0: i32, %arg1: memref<2000x128xf32, #tpu.memory_space<vmem>>, %arg2: memref<128x128xf32, #tpu.memory_space<vmem>>, %arg3: memref<1x128xf32, #tpu.memory_space<vmem>>, %arg4: memref<128x128xf32, #tpu.memory_space<vmem>>, %arg5: memref<2000x1xf32, #tpu.memory_space<vmem>>, %arg6: memref<2000x128xf32, #tpu.memory_space<vmem>>, %arg7: memref<2000x128xf32, #tpu.memory_space<vmem>>) attributes {dimension_semantics = [#tpu.dimension_semantics<arbitrary>], iteration_bounds = array<i64: 5>, scalar_prefetch = 0 : i64, scratch_operands = 0 : i64, tpu.core_type = #tpu.core_type<tc>, window_params = [{transform_indices = @transform_0, window_bounds = array<i64: 2000, 128>}, {pipeline_mode = #tpu.pipeline_mode<synchronous>, transform_indices = @transform_1, window_bounds = array<i64: 128, 128>}, {pipeline_mode = #tpu.pipeline_mode<synchronous>, transform_indices = @transform_2, window_bounds = array<i64: 1, 128>}, {pipeline_mode = #tpu.pipeline_mode<synchronous>, transform_indices = @transform_3, window_bounds = array<i64: 128, 128>}, {transform_indices = @transform_4, window_bounds = array<i64: 2000, 1>}, {transform_indices = @transform_5, window_bounds = array<i64: 2000, 128>}, {transform_indices = @transform_6, window_bounds = array<i64: 2000, 128>}]} {
    %get3A = arith.constant 0 : index
    %get3A_0 = arith.constant 0 : index
    %get3A_1 = vector.load %arg1[%get3A, %get3A_0] : memref<2000x128xf32, #tpu.memory_space<vmem>>, vector<2000x128xf32>
    %get3A_2 = arith.constant 0 : index
    %get3A_3 = arith.constant 0 : index
    %get3A_4 = vector.load %arg2[%get3A_2, %get3A_3] : memref<128x128xf32, #tpu.memory_space<vmem>>, vector<128x128xf32>
    %dot_general3A = arith.constant dense<0.000000e+00> : vector<2000x128xf32>
    %dot_general3A_5 = tpu.matmul %get3A_1, %get3A_4, %dot_general3A {dimension_numbers = #tpu.dot_dimension_numbers<[1], [0], [0], [1], [0, 0, 1, 1], [], []>, transpose_lhs_hint = false} : vector<2000x128xf32>, vector<128x128xf32>, vector<2000x128xf32> -> vector<2000x128xf32>
    %get3A_6 = arith.constant 0 : index
    %get3A_7 = arith.constant 0 : index
    %get3A_8 = vector.load %arg3[%get3A_6, %get3A_7] : memref<1x128xf32, #tpu.memory_space<vmem>>, vector<1x128xf32>
    %add3A = vector.broadcast %get3A_8 : vector<1x128xf32> to vector<2000x128xf32>
    %add3A_9 = arith.addf %dot_general3A_5, %add3A : vector<2000x128xf32>
    %swap3A = arith.constant 0 : index
    %swap3A_10 = arith.constant 0 : index
    %swap3A_11 = vector.load %arg6[%swap3A, %swap3A_10] : memref<2000x128xf32, #tpu.memory_space<vmem>>, vector<2000x128xf32>
    tpu.vector_store %arg6[%swap3A, %swap3A_10], %add3A_9 {strides = array<i32>} : memref<2000x128xf32, #tpu.memory_space<vmem>>, vector<2000x128xf32>,
    %get3A_12 = arith.constant 0 : index
    %get3A_13 = arith.constant 0 : index
    %get3A_14 = vector.load %arg4[%get3A_12, %get3A_13] : memref<128x128xf32, #tpu.memory_space<vmem>>, vector<128x128xf32>
    %dot_general3A_15 = arith.constant dense<0.000000e+00> : vector<2000x128xf32>
    %dot_general3A_16 = tpu.matmul %add3A_9, %get3A_14, %dot_general3A_15 {dimension_numbers = #tpu.dot_dimension_numbers<[1], [0], [0], [1], [0, 0, 1, 1], [], []>, transpose_lhs_hint = false} : vector<2000x128xf32>, vector<128x128xf32>, vector<2000x128xf32> -> vector<2000x128xf32>
    %get3A_17 = arith.constant 0 : index
    %get3A_18 = arith.constant 0 : index
    %get3A_19 = vector.load %arg5[%get3A_17, %get3A_18] : memref<2000x1xf32, #tpu.memory_space<vmem>>, vector<2000x1xf32>
    %broadcast_in_dim3A = vector.shape_cast %get3A_19 : vector<2000x1xf32> to vector<2000x1xf32>
    %broadcast_in_dim3A_20 = vector.broadcast %broadcast_in_dim3A : vector<2000x1xf32> to vector<2000x128xf32>
    %rsqrt3A = math.rsqrt %broadcast_in_dim3A_20 : vector<2000x128xf32>
    %mul3A = arith.mulf %rsqrt3A, %dot_general3A_16 : vector<2000x128xf32>
    %swap3A_21 = arith.constant 0 : index
    %swap3A_22 = arith.constant 0 : index
    %swap3A_23 = vector.load %arg7[%swap3A_21, %swap3A_22] : memref<2000x128xf32, #tpu.memory_space<vmem>>, vector<2000x128xf32>
    tpu.vector_store %arg7[%swap3A_21, %swap3A_22], %mul3A {strides = array<i32>} : memref<2000x128xf32, #tpu.memory_space<vmem>>, vector<2000x128xf32>,
    return
  }
  func.func @transform_0(%arg0: i32) -> (i32, i32) {
    %c0_i32 = arith.constant 0 : i32
    %c0_i32_0 = arith.constant 0 : i32
    return %arg0, %c0_i32 : i32, i32
  }
  func.func @transform_1(%arg0: i32) -> (i32, i32) {
    %c0_i32 = arith.constant 0 : i32
    %c0_i32_0 = arith.constant 0 : i32
    %c0_i32_1 = arith.constant 0 : i32
    return %c0_i32, %c0_i32_0 : i32, i32
  }
  func.func @transform_2(%arg0: i32) -> (i32, i32) {
    %c0_i32 = arith.constant 0 : i32
    %c0_i32_0 = arith.constant 0 : i32
    %c0_i32_1 = arith.constant 0 : i32
    return %c0_i32, %c0_i32_0 : i32, i32
  }
  func.func @transform_3(%arg0: i32) -> (i32, i32) {
    %c0_i32 = arith.constant 0 : i32
    %c0_i32_0 = arith.constant 0 : i32
    %c0_i32_1 = arith.constant 0 : i32
    return %c0_i32, %c0_i32_0 : i32, i32
  }
  func.func @transform_4(%arg0: i32) -> (i32, i32) {
    %c0_i32 = arith.constant 0 : i32
    %c0_i32_0 = arith.constant 0 : i32
    return %arg0, %c0_i32 : i32, i32
  }
  func.func @transform_5(%arg0: i32) -> (i32, i32) {
    %c0_i32 = arith.constant 0 : i32
    %c0_i32_0 = arith.constant 0 : i32
    return %arg0, %c0_i32 : i32, i32
  }
  func.func @transform_6(%arg0: i32) -> (i32, i32) {
    %c0_i32 = arith.constant 0 : i32
    %c0_i32_0 = arith.constant 0 : i32
    return %arg0, %c0_i32 : i32, i32
  }
}

module attributes {stable_mosaic.version = 14 : i64} {
  func.func @body(%arg0: i32, %arg1: memref<2x2000x128xf32, #tpu.memory_space<vmem>>, %arg2: memref<2000x128xf32, #tpu.memory_space<vmem>>, %arg3: memref<2000x1xf32, #tpu.memory_space<vmem>>, %arg4: memref<1x128xf32, #tpu.memory_space<vmem>>, %arg5: memref<2000x128xf32, #tpu.memory_space<vmem>>) attributes {dimension_semantics = [#tpu.dimension_semantics<arbitrary>], iteration_bounds = array<i64: 5>, scalar_prefetch = 0 : i64, scratch_operands = 0 : i64, tpu.core_type = #tpu.core_type<tc>, window_params = [{transform_indices = @transform_0, window_bounds = array<i64: 2, 2000, 128>}, {transform_indices = @transform_1, window_bounds = array<i64: 2000, 128>}, {transform_indices = @transform_2, window_bounds = array<i64: 2000, 1>}, {pipeline_mode = #tpu.pipeline_mode<synchronous>, transform_indices = @transform_3, window_bounds = array<i64: 1, 128>}, {transform_indices = @transform_4, window_bounds = array<i64: 2000, 128>}]} {
    %get3A = arith.constant 0 : index
    %get3A_0 = arith.constant 0 : index
    %get3A_1 = arith.constant 0 : index
    %get3A_2 = vector.load %arg1[%get3A, %get3A_0, %get3A_1] : memref<2x2000x128xf32, #tpu.memory_space<vmem>>, vector<1x2000x128xf32>
    %get3A_3 = vector.shape_cast %get3A_2 : vector<1x2000x128xf32> to vector<2000x128xf32>
    %get3A_4 = arith.constant 1 : index
    %get3A_5 = arith.constant 0 : index
    %get3A_6 = arith.constant 0 : index
    %get3A_7 = vector.load %arg1[%get3A_4, %get3A_5, %get3A_6] : memref<2x2000x128xf32, #tpu.memory_space<vmem>>, vector<1x2000x128xf32>
    %get3A_8 = vector.shape_cast %get3A_7 : vector<1x2000x128xf32> to vector<2000x128xf32>
    %add3A = arith.addf %get3A_3, %get3A_8 : vector<2000x128xf32>
    %get3A_9 = arith.constant 0 : index
    %get3A_10 = arith.constant 0 : index
    %get3A_11 = vector.load %arg2[%get3A_9, %get3A_10] : memref<2000x128xf32, #tpu.memory_space<vmem>>, vector<2000x128xf32>
    %add3A_12 = arith.addf %add3A, %get3A_11 : vector<2000x128xf32>
    %get3A_13 = arith.constant 0 : index
    %get3A_14 = arith.constant 0 : index
    %get3A_15 = vector.load %arg3[%get3A_13, %get3A_14] : memref<2000x1xf32, #tpu.memory_space<vmem>>, vector<2000x1xf32>
    %broadcast_in_dim3A = vector.shape_cast %get3A_15 : vector<2000x1xf32> to vector<2000x1xf32>
    %broadcast_in_dim3A_16 = vector.broadcast %broadcast_in_dim3A : vector<2000x1xf32> to vector<2000x128xf32>
    %rsqrt3A = math.rsqrt %broadcast_in_dim3A_16 : vector<2000x128xf32>
    %mul3A = arith.mulf %rsqrt3A, %add3A_12 : vector<2000x128xf32>
    %get3A_17 = arith.constant 0 : index
    %get3A_18 = arith.constant 0 : index
    %get3A_19 = vector.load %arg4[%get3A_17, %get3A_18] : memref<1x128xf32, #tpu.memory_space<vmem>>, vector<1x128xf32>
    %add3A_20 = vector.broadcast %get3A_19 : vector<1x128xf32> to vector<2000x128xf32>
    %add3A_21 = arith.addf %mul3A, %add3A_20 : vector<2000x128xf32>
    %max3A = arith.constant 0.000000e+00 : f32
    %max3A_22 = vector.broadcast %max3A : f32 to vector<2000x128xf32>
    %max3A_23 = arith.maximumf %add3A_21, %max3A_22 : vector<2000x128xf32>
    %swap3A = arith.constant 0 : index
    %swap3A_24 = arith.constant 0 : index
    %swap3A_25 = vector.load %arg5[%swap3A, %swap3A_24] : memref<2000x128xf32, #tpu.memory_space<vmem>>, vector<2000x128xf32>
    tpu.vector_store %arg5[%swap3A, %swap3A_24], %max3A_23 {strides = array<i32>} : memref<2000x128xf32, #tpu.memory_space<vmem>>, vector<2000x128xf32>,
    return
  }
  func.func @transform_0(%arg0: i32) -> (i32, i32, i32) {
    %c0_i32 = arith.constant 0 : i32
    %c0_i32_0 = arith.constant 0 : i32
    %c0_i32_1 = arith.constant 0 : i32
    return %c0_i32, %arg0, %c0_i32_0 : i32, i32, i32
  }
  func.func @transform_1(%arg0: i32) -> (i32, i32) {
    %c0_i32 = arith.constant 0 : i32
    %c0_i32_0 = arith.constant 0 : i32
    return %arg0, %c0_i32 : i32, i32
  }
  func.func @transform_2(%arg0: i32) -> (i32, i32) {
    %c0_i32 = arith.constant 0 : i32
    %c0_i32_0 = arith.constant 0 : i32
    return %arg0, %c0_i32 : i32, i32
  }
  func.func @transform_3(%arg0: i32) -> (i32, i32) {
    %c0_i32 = arith.constant 0 : i32
    %c0_i32_0 = arith.constant 0 : i32
    %c0_i32_1 = arith.constant 0 : i32
    return %c0_i32, %c0_i32_0 : i32, i32
  }
  func.func @transform_4(%arg0: i32) -> (i32, i32) {
    %c0_i32 = arith.constant 0 : i32
    %c0_i32_0 = arith.constant 0 : i32
    return %arg0, %c0_i32 : i32, i32
  }
}

</mosaic_0001>

<sc_bundles>
// kernel: kernel.6.cloned.1.call-start
scs
__scs_entry_jumppad:
0x0: {  	(pc) =	sbr.rel $0x88, $3  }
0x1: {  	(tag) =	ssettag $0x0;
	lr =	simm.s32 $0x1  }
0x2: {  	[smem:$0x3F9B] =	sst lr;
	_ =	strace $0xD0000000  }
0x3: {  	_ = 	snop  }
0x4: {  	_ = 	snop  }
0x5: {  	_ = 	snop  }
0x6: {  	_ = 	snop  }
0x7: {  	_ = 	snop  }
__scs_overlays_trampoline_lowered:
0x8: {  	[smem:$0x3FAA] =	sst s0  }
0x9: {  	[smem:$0x3FAB] =	sst s1  }
0xa: {  	[smem:$0x3FAC] =	sst s2  }
0xb: {  	[smem:$0x3FAD] =	sst s3  }
0xc: {  	[smem:$0x3FAE] =	sst s4  }
0xd: {  	[smem:$0x3FAF] =	sst s5  }
0xe: {  	[smem:$0x3FB0] =	sst s6  }
0xf: {  	[smem:$0x3FB1] =	sst s7  }
0x10: {  	[smem:$0x3FB2] =	sst s8  }
0x11: {  	[smem:$0x3FB3] =	sst s9;
	s0 =	simm.s32 @!p0 $0x0  }
0x12: {  	s1 =	sld [smem:$0x3F99];
	s0 =	simm.s32 @p0 $0x1  }
0x13: {  	[smem:$0x3FB4] =	sst s0;
	s0 =	simm.s32 @!p1 $0x0  }
0x14: {  	s2 =	sld [smem:$0x3F98];
	s0 =	simm.s32 @p1 $0x1  }
0x15: {  	[smem:$0x3FB5] =	sst s0;
	s0 =	simm.s32 @!p2 $0x0  }
0x16: {  	s3 =	sld [smem:$0x3FDB];
	s0 =	simm.s32 @p2 $0x1  }
0x17: {  	s4 =	simm.s32 $0x1BF5;
	[smem:$0x3FB7] =	sst s0  }
0x18: {  	s0 =	sld [smem:$0x3F9A];
	_ =	swait.ge [sflag:s4], $0x0  }
0x19: {  	s7 =	sld [smem:$0x3F9B]  }
0x1a: {  	s8 =	sadd.s32 $0xFFFFE003, lr  }
0x1b: {  	s9 =	sadd.s32 $0xFFFFFEF7, lr;
	s5 =	simm.s32 $0xFFFFFFFF;
	p2 =	slt.u32 s8, $0xFFFFF086  }
0x1c: {  	p1 =	slt.u32 s9, $0xF7A;
	s5 =	simm.s32 @!p2 $0x0  }
0x1d: {  	s5 =	simm.s32 @p1 $0x1;
	p0 =	seq.s32 s7, s2  }
0x1e: {  	s7 =	smul.u32 @!p0 $0xF7A, s2;
	p2 =	seq.s32 @!p0 s5, $0x0  }
0x1f: {  	s9 =	smul.u32 $0xF7A, s1;
	s8 =	simm.s32 @!p0 $0x1BF5;
	p2 =	por !p2, p0  }
0x20: {  	[sflag:s8] =	ssyncset.s32 @!p0 $0xFFFFF086;
	s6 =	sadd.s32 @!p0 s3, s7;
	s7 =	simm.s32 @!p0 $0x108  }
0x21: {  	s3 =	sadd.s32 s3, s9;
	s6 =	sadd.s32 @!p0 $0x88, s6;
	s7 =	simm.s32 @p2 $0x1082  }
0x22: {  	[simem:s7], [sflag:s8] =	dma.local @!p0 [hbm:s6], $0xF7A  }
0x23: {  	s9 =	sor.u32 $0xD0000000, s2;
	s6 =	simm.s32 $0x108;
	_ =	swait.ge @!p0 [sflag:s8], $0x0  }
0x24: {  	s3 =	sadd.s32 $0x88, s3;
	s6 =	simm.s32 @!p1 $0x1082;
	[sflag:s4] =	ssyncset.s32 $0xFFFFF086  }
0x25: {  	[simem:s6], [sflag:s4] =	dma.local [hbm:s3], $0xF7A  }
0x26: {  	[smem:$0x3F9B] =	sst s1;
	(tag) =	ssettag s2;
	_ =	strace s9  }
0x27: {  	s1 =	sld [smem:$0x3FAB]  }
0x28: {  	s2 =	sld [smem:$0x3FAC]  }
0x29: {  	s4 =	sld [smem:$0x3FAE]  }
0x2a: {  	p0 =	seq.s32 s5, $0x0;
	s5 =	sld [smem:$0x3FAF]  }
0x2b: {  	s6 =	sld [smem:$0x3FB0]  }
0x2c: {  	s7 =	sld [smem:$0x3FB1]  }
0x2d: {  	s3 =	simm.s32 $0x108;
	s8 =	sld [smem:$0x3FB2]  }
0x2e: {  	s3 =	simm.s32 @!p0 $0x1082;
	s9 =	sld [smem:$0x3FB3]  }
0x2f: {  	lr =	sadd.s32 s0, s3;
	s0 =	sld [smem:$0x3FAA]  }
0x30: {  	s3 =	sld [smem:$0x3FAD]  }
0x31: {  	[smem:$0x3FB6] =	sst s10  }
0x32: {  	s10 =	sld [smem:$0x3FB4];
	_ =	sdelay $0x3  }
0x33: {  	p0 =	seq.s32 s10, $0x1;
	s10 =	sld [smem:$0x3FB6];
	_ =	sdelay $0x3  }
0x34: {  	[smem:$0x3FB6] =	sst s10  }
0x35: {  	s10 =	sld [smem:$0x3FB5];
	_ =	sdelay $0x3  }
0x36: {  	p1 =	seq.s32 s10, $0x1;
	s10 =	sld [smem:$0x3FB6];
	_ =	sdelay $0x3  }
0x37: {  	[smem:$0x3FB6] =	sst s10  }
0x38: {  	s10 =	sld [smem:$0x3FB7]  }
0x39: {  	_ = 	snop;
	(pc) =	sbr.ind lr, $3  }
0x3a: {  	_ = 	snop  }
0x3b: {  	_ = 	snop  }
0x3c: {  	p2 =	seq.s32 s10, $0x1;
	s10 =	sld [smem:$0x3FB6]  }
0x3d: {  	_ =	shalt  }
0x3e: {  	_ =	shalt  }
0x3f: {  	_ =	shalt  }
0x40: {  	_ =	shalt  }
0x41: {  	_ =	shalt  }
0x42: {  	_ =	shalt  }
0x43: {  	_ =	shalt  }
0x44: {  	_ =	shalt  }
0x45: {  	_ =	shalt  }
0x46: {  	_ =	shalt  }
0x47: {  	_ =	shalt  }
0x48: {  	_ =	shalt  }
0x49: {  	_ =	shalt  }
0x4a: {  	_ =	shalt  }
0x4b: {  	_ =	shalt  }
0x4c: {  	_ =	shalt  }
0x4d: {  	_ =	shalt  }
0x4e: {  	_ =	shalt  }
0x4f: {  	_ =	shalt  }
0x50: {  	_ =	shalt  }
0x51: {  	_ =	shalt  }
0x52: {  	_ =	shalt  }
0x53: {  	_ =	shalt  }
0x54: {  	_ =	shalt  }
0x55: {  	_ =	shalt  }
0x56: {  	_ =	shalt  }
0x57: {  	_ =	shalt  }
0x58: {  	_ =	shalt  }
0x59: {  	_ =	shalt  }
0x5a: {  	_ =	shalt  }
0x5b: {  	_ =	shalt  }
0x5c: {  	_ =	shalt  }
0x5d: {  	_ =	shalt  }
0x5e: {  	_ =	shalt  }
0x5f: {  	_ =	shalt  }
0x60: {  	_ =	shalt  }
0x61: {  	_ =	shalt  }
0x62: {  	_ =	shalt  }
0x63: {  	_ =	shalt  }
0x64: {  	_ =	shalt  }
0x65: {  	_ =	shalt  }
0x66: {  	_ =	shalt  }
0x67: {  	_ =	shalt  }
0x68: {  	_ =	shalt  }
0x69: {  	_ =	shalt  }
0x6a: {  	_ =	shalt  }
0x6b: {  	_ =	shalt  }
0x6c: {  	_ =	shalt  }
0x6d: {  	_ =	shalt  }
0x6e: {  	_ =	shalt  }
0x6f: {  	_ =	shalt  }
0x70: {  	_ =	shalt  }
0x71: {  	_ =	shalt  }
0x72: {  	_ =	shalt  }
0x73: {  	_ =	shalt  }
0x74: {  	_ =	shalt  }
0x75: {  	_ =	shalt  }
0x76: {  	_ =	shalt  }
0x77: {  	_ =	shalt  }
0x78: {  	_ =	shalt  }
0x79: {  	_ =	shalt  }
0x7a: {  	_ =	shalt  }
0x7b: {  	_ =	shalt  }
0x7c: {  	_ =	shalt  }
0x7d: {  	_ =	shalt  }
0x7e: {  	_ =	shalt  }
0x7f: {  	_ =	shalt  }
0x80: {  	_ =	shalt  }
0x81: {  	_ =	shalt  }
0x82: {  	_ =	shalt  }
0x83: {  	_ =	shalt  }
0x84: {  	_ =	shalt  }
0x85: {  	_ =	shalt  }
0x86: {  	_ =	shalt  }
0x87: {  	_ =	shalt  }
.Lfunc_end0:
.L_simem_size_0:
called_computation_lowered:
.L_overlay_start_0:
0x88: {  	s2 =	sld [smem:$0x3FD9]  }
0x89: {  	s3 =	sld [smem:$0x3FFE];
	_ =	sdelay $0x1  }
0x8a: {  	s1 =	srdreg.scid  }
0x8b: {  	s0 =	sand.u32 $0x1, s1  }
0x8c: {  	s15 =	sshll.u32 s0, $0xA;
	s2 =	sadd.s32 s3, s2  }
0x8d: {  	s2 =	sadd.s32 s2, s15  }
0x8e: {  	[smem:$0x3FC2] =	sst s2  }
0x8f: {  	_ = 	snop  }
0x90: {  	s2 =	sld [smem:$0x3FD0];
	_ =	sdelay $0x2  }
0x91: {  	s16 =	simm.s32 $0xA;
	s4 =	simm.s32 $0x10  }
0x92: {  	[smem:s4], [sflag:s16] =	dma.local [hbm:s2], $0x1  }
0x93: {  	_ =	swait.eq [sflag:s16], $0x1  }
0x94: {  	[sflag:s16] =	ssyncset.done $0x0  }
0x95: {  	s17 =	sld [smem:$0x10];
	[sflag:s16] =	ssyncadd.s32 $0xFFFFFFFF  }
0x96: {  	s18 =	sld [smem:$0x11];
	(tm) =	ssettm $0x1  }
0x97: {  	s19 =	sld [smem:$0x3FFB];
	_ =	sdelay $0x3  }
0x98: {  	_ =	strace s19  }
0x99: {  	s4 =	sld [smem:$0x3FFC];
	_ =	sdelay $0x3  }
0x9a: {  	_ =	strace s4  }
0x9b: {  	s4 =	sld [smem:$0x3FFD];
	_ =	sdelay $0x3  }
0x9c: {  	_ =	strace s4  }
0x9d: {  	_ =	strace $0x8FFFFFFF  }
0x9e: {  	s20 =	sld [smem:$0x3FDB];
	_ =	sdelay $0x1  }
0x9f: {  	s5 =	simm.s32 $_scs_section_size  }
0xa0: {  	s6 =	simm.s32 $_size__tile_overlayer_lowered;
	s7 =	simm.s32 $_tile_overlayer_lowered  }
0xa1: {  	s23 =	simm.s32 $0x1BFF;
	s22 =	sshll.u32 s7, $0x1;
	s4 =	sadd.s32 s5, s20  }
0xa2: {  	s8 =	simm.s32 $0x0;
	s21 =	sshll.u32 s6, $0x1;
	s6 =	sadd.s32 s22, s4  }
0xa3: {  	[timem:s8], [sflag:s23] =	dma.local [hbm:s6], s21  }
0xa4: {  	_ =	swait.ge [sflag:s23], s21  }
0xa5: {  	s5 =	ssub.s32 $0x0, s21;
	[sflag:s23] =	ssyncset.done $0x0  }
0xa6: {  	[sflag:s23] =	ssyncadd.s32 s5;
	_ =	sdelay $0x1  }
0xa7: {  	s24 =	simm.s32 $0x1B8B  }
0xa8: {  	_ =	swait.ge [sflag:s24], $0x1  }
0xa9: {  	[sflag:s24] =	ssyncset.done $0x0  }
0xaa: {  	s25 =	simm.s32 $0x1B8E;
	[sflag:s24] =	ssyncadd.s32 $0xFFFFFFFF  }
0xab: {  	s26 =	simm.s32 $execute0_lowered;
	[smem:$0x3FD2] =	sst s25  }
0xac: {  	s5 =	sshll.u32 s26, $0x1;
	_ =	strace $0x80000046;
	[dreg:$0x1] =	wrdreg $0xFFFFFFFF  }
0xad: {  	s28 =	simm.s32 $_size_execute0_lowered;
	s4 =	sadd.s32 s4, s5;
	[dreg:$0x0] =	wrdreg $0x0  }
0xae: {  	s5 =	sshll.u32 s28, $0x1;
	[dreg:$0x2] =	wrdreg s4  }
0xaf: {  	[dreg:$0x3] =	wrdreg s5  }
0xb0: {  	[dreg:$0x4] =	wrdreg $0xC0  }
0xb1: {  	_ =	task [dreg:s8], $0x5FFFF  }
0xb2: {  	[dreg:$0x1] =	wrdreg $0xFFFFFFFF  }
0xb3: {  	[dreg:$0x0] =	wrdreg $0x60  }
0xb4: {  	[dreg:$0x2] =	wrdreg s17  }
0xb5: {  	[dreg:$0x3] =	wrdreg s18  }
0xb6: {  	[dreg:$0x4] =	wrdreg $0x43000  }
0xb7: {  	[dreg:$0x5] =	wrdreg $0x9  }
0xb8: {  	_ =	task.clear_ibuf [dreg:s8], $0x6FFFF;
	_ =	strace $0x90000046  }
0xb9: {  	s29 =	simm.s32 $0x9;
	_ =	strace $0x80000048  }
0xba: {  	_ =	swait.ge [sflag:s29], $0x1  }
0xbb: {  	[sflag:s29] =	ssyncadd.s32 $0xFFFFFFFF  }
0xbc: {  	_ =	strace $0x90000048  }
0xbd: {  	_ =	sfence  }
0xbe: {  	s30 =	sld [smem:$0x0];
	_ =	sdelay $0x2  }
0xbf: {  	s31 =	sshll.u32 s1, $0xD;
	s1 =	sshrl.u32 s1, $0x2  }
0xc0: {  	s3 =	sand.u32 $0x4000, s31;
	s1 =	sadd.s32 s1, s30  }
0xc1: {  	s0 =	sor.u32 s3, s0;
	s1 =	sshll.u32 s1, $0x11  }
0xc2: {  	s0 =	sor.u32 s1, s0  }
0xc3: {  	s0 =	sadd.s32 $0x8F2B, s0  }
0xc4: {  	[sflag:s0] =	ssyncadd.remote.s32 $0x1  }
0xc5: {  	_ =	sfence.sel $0xFFFF  }
0xc6: {  	[dreg:$0x0] =	wrdreg $0xFFFFFFFF;
	(pc) =	sbr.abs _section_cstart, $3  }
0xc7: {  	[dreg:$0x1] =	wrdreg $0xFFFFFFFF  }
0xc8: {  	_ =	task.clear_ibuf [dreg:s8], $0x2FFFF;
	_ =	strace $0x9FFFFFFF  }
0xc9: {  	(tm) =	ssettm $0x7FFFFFFF  }
tec
execute0_lowered:
.L_overlay_start_1:
0x0: {  	(tag) =	ssettag $0x1  }
0x1: {  	s4 =	rddreg [dreg:$0x0]  }
0x2: {  	s6 =	rddreg [dreg:$0x1]  }
0x3: {  	s1 =	rddreg [dreg:$0x2];
	s2 =	srdreg.scid  }
0x4: {  	s0 =	rddreg [dreg:$0x3];
	s3 =	simm.s32 $0x0;
	s12 =	simm.s32 $0x1  }
0x5: {  	s15 =	simm.s32 $0x20;
	s16 =	simm.s32 $0x10;
	s17 =	simm.s32 $0x0  }
0x6: {  	s5 =	sand.u32 $0x1, s2;
	[smem:$0x7FF] =	sst s3;
	s2 =	stileid.u32  }
0x7: {  	s7 =	ssub.s32 $0x2, s5;
	_ =	strace $0x80000047;
	s9 =	smul.u32 $0x500, s2  }
0x8: {  	s31 =	smul.u32 $0xA00, s2;
	s10 =	sshll.u32 s5, $0x7;
	s5 =	sshll.u32 s5, $0xF  }
0x9: {  	s11 =	sshll.u32 s2, $0xB;
	s13 =	sshll.u32 s2, $0x6;
	s8 =	sshrl.u32 s7, $0x1  }
0xa: {  	s4 =	sadd.s32 s4, s11;
	s11 =	simm.s32 $0x4000;
	s13 =	sor.u32 $0x1C02, s13  }
0xb: {  	s7 =	ssub.s32 s7, s8;
	s9 =	sor.u32 s10, s9;
	s8 =	sshrl.u32 s31, $0x2  }
0xc: {  	s4 =	sadd.s32 s5, s4;
	s10 =	simm.s32 $0x50;
	s9 =	sshrl.u32 s9, $0x3  }
0xd: {  	s5 =	sadd.s32 s8, s1;
	s7 =	smax.u32 s7, $0x1;
	s8 =	simm.s32 $0x2  }
0xe: {  	v0 =	vimm.f32 $1.000000000e+00;
	v1 =	vimm.f32 $0.0e+00;
	s6 =	sadd.s32 s6, s9;
	s9 =	simm.s32 $0x4080;
	s14 =	sshrl.u32 s5, $0x3  }
.LBB2_1:
0xf: {  	[tilespmem:s3], [sflag:$0x2] =	stream.linear.gather [hbm4b:s4+s3], $0x3E80, $0x38;
	[tilespmem:$0x4580] =	vst v63  }
0x10: {  	_ =	swait.ge [sflag:s8], $0x3E80  }
0x11: {  	[sflag:s8] =	ssyncset.done $0x0  }
0x12: {  	[sflag:s8] =	ssyncadd.s32 $0xFFFFC180  }
0x13: {  	[tilespmem:$0x4000] =	vst v0  }
0x14: {  	[tilespmem:$0x4010] =	vst v0  }
0x15: {  	[tilespmem:$0x4020] =	vst v0  }
0x16: {  	[tilespmem:$0x4030] =	vst v0  }
0x17: {  	[tilespmem:$0x4040] =	vst v0  }
0x18: {  	[tilespmem:$0x4050] =	vst v0  }
0x19: {  	[tilespmem:$0x4060] =	vst v0  }
0x1a: {  	[tilespmem:$0x4070] =	vst v0  }
0x1b: {  	[tilespmem:$0x4080] =	vst v1  }
0x1c: {  	[tilespmem:$0x4090] =	vst v1  }
0x1d: {  	[tilespmem:$0x40A0] =	vst v1  }
0x1e: {  	[tilespmem:$0x40B0] =	vst v1  }
0x1f: {  	[tilespmem:$0x40C0] =	vst v1  }
0x20: {  	[tilespmem:$0x40D0] =	vst v1  }
0x21: {  	[tilespmem:$0x40E0] =	vst v1  }
0x22: {  	[tilespmem:$0x40F0] =	vst v1  }
0x23: {  	[tilespmem:$0x4100] =	vst v1  }
0x24: {  	[tilespmem:$0x4110] =	vst v1  }
0x25: {  	[tilespmem:$0x4120] =	vst v1  }
0x26: {  	[tilespmem:$0x4130] =	vst v1  }
0x27: {  	[tilespmem:$0x4140] =	vst v1  }
0x28: {  	[tilespmem:$0x4150] =	vst v1  }
0x29: {  	[tilespmem:$0x4160] =	vst v1  }
0x2a: {  	[tilespmem:$0x4170] =	vst v1  }
0x2b: {  	[tilespmem:$0x4180] =	vst v1  }
0x2c: {  	[tilespmem:$0x4190] =	vst v1  }
0x2d: {  	[tilespmem:$0x41A0] =	vst v1  }
0x2e: {  	[tilespmem:$0x41B0] =	vst v1  }
0x2f: {  	[tilespmem:$0x41C0] =	vst v1  }
0x30: {  	[tilespmem:$0x41D0] =	vst v1  }
0x31: {  	[tilespmem:$0x41E0] =	vst v1  }
0x32: {  	[tilespmem:$0x41F0] =	vst v1  }
0x33: {  	[tilespmem:$0x4200] =	vst v1  }
0x34: {  	[tilespmem:$0x4210] =	vst v1  }
0x35: {  	[tilespmem:$0x4220] =	vst v1  }
0x36: {  	[tilespmem:$0x4230] =	vst v1  }
0x37: {  	[tilespmem:$0x4240] =	vst v1  }
0x38: {  	[tilespmem:$0x4250] =	vst v1  }
0x39: {  	[tilespmem:$0x4260] =	vst v1  }
0x3a: {  	[tilespmem:$0x4270] =	vst v1  }
0x3b: {  	[tilespmem:$0x4280] =	vst v1  }
0x3c: {  	[tilespmem:$0x4290] =	vst v1  }
0x3d: {  	[tilespmem:$0x42A0] =	vst v1  }
0x3e: {  	[tilespmem:$0x42B0] =	vst v1  }
0x3f: {  	[tilespmem:$0x42C0] =	vst v1  }
0x40: {  	[tilespmem:$0x42D0] =	vst v1  }
0x41: {  	[tilespmem:$0x42E0] =	vst v1  }
0x42: {  	[tilespmem:$0x42F0] =	vst v1  }
0x43: {  	[spmem:s5] =	stream.linear.scatter [tilespmem:s9], [sflag:$0x2], $0x280, $0x38;
	[tilespmem:$0x4580] =	vst v63  }
0x44: {  	_ =	swait.ge [sflag:s8], $0x280  }
0x45: {  	[sflag:s8] =	ssyncset.done $0x0  }
0x46: {  	[sflag:s8] =	ssyncadd.s32 $0xFFFFFD80  }
0x47: {  	s18 =	simm.s32 $0x0;
	[bflag:$0x0] =	sbarrier.arrive $0xFFFF  }
0x48: {  	[spmem:s1] =	stream.indirect.scatter.add.f32 [tilespmem:s11], [sflag:$0x1], $0x1, s18, s10, $0xb8;
	[tilespmem:$0x4580] =	vst v63  }
0x49: {  	s28 =	simm.s32 $0x80  }
0x4a: {  	[spmem:s1] =	stream.indirect.scatter.add.f32 [tilespmem:s11], [sflag:$0x1], $0x1, s28, s10, $0xb8;
	[tilespmem:$0x4580] =	vst v63  }
0x4b: {  	s29 =	simm.s32 $0x100  }
0x4c: {  	[spmem:s1] =	stream.indirect.scatter.add.f32 [tilespmem:s11], [sflag:$0x1], $0x1, s29, s10, $0xb8;
	[tilespmem:$0x4580] =	vst v63  }
0x4d: {  	s30 =	simm.s32 $0x180  }
0x4e: {  	[spmem:s1] =	stream.indirect.scatter.add.f32 [tilespmem:s11], [sflag:$0x1], $0x1, s30, s10, $0xb8;
	[tilespmem:$0x4580] =	vst v63  }
0x4f: {  	s31 =	simm.s32 $0x200  }
0x50: {  	[spmem:s1] =	stream.indirect.scatter.add.f32 [tilespmem:s11], [sflag:$0x1], $0x1, s31, s10, $0xb8;
	[tilespmem:$0x4580] =	vst v63  }
0x51: {  	_ =	swait.ge [sflag:s12], $0x50  }
0x52: {  	[sflag:s12] =	ssyncset.done $0x0  }
0x53: {  	[sflag:s12] =	ssyncadd.s32 $0xFFFFFFB0  }
0x54: {  	_ =	swait.ge [sflag:s12], $0x50  }
0x55: {  	[sflag:s12] =	ssyncset.done $0x0  }
0x56: {  	[sflag:s12] =	ssyncadd.s32 $0xFFFFFFB0  }
0x57: {  	_ =	swait.ge [sflag:s12], $0x50  }
0x58: {  	[sflag:s12] =	ssyncset.done $0x0  }
0x59: {  	[sflag:s12] =	ssyncadd.s32 $0xFFFFFFB0  }
0x5a: {  	_ =	swait.ge [sflag:s12], $0x50  }
0x5b: {  	[sflag:s12] =	ssyncset.done $0x0  }
0x5c: {  	[sflag:s12] =	ssyncadd.s32 $0xFFFFFFB0  }
0x5d: {  	_ =	swait.ge [sflag:s12], $0x50  }
0x5e: {  	s19 =	simm.s32 $0x1400;
	s18 =	simm.s32 $0xA00;
	[sflag:s12] =	ssyncset.done $0x0  }
.LBB2_2:
0x5f: {  	s20 =	sshra.s32 s18, $0x2  }
0x60: {  	[sflag:s12] =	ssyncadd.s32 $0xFFFFFFB0;
	s18 =	smov.u32 s19;
	s21 =	sadd.s32 $0xA00, s19  }
0x61: {  	[spmem:s1] =	stream.indirect.scatter.add.f32 [tilespmem:s11], [sflag:$0x1], $0x1, s20, s10, $0xb8;
	[tilespmem:$0x4580] =	vst v63  }
0x62: {  	p0 =	sne.s32 s19, $0xF000;
	s19 =	sadd.s32 $0x80, s20  }
0x63: {  	[spmem:s1] =	stream.indirect.scatter.add.f32 [tilespmem:s11], [sflag:$0x1], $0x1, s19, s10, $0xb8;
	[tilespmem:$0x4580] =	vst v63  }
0x64: {  	s19 =	sadd.s32 $0x100, s20  }
0x65: {  	[spmem:s1] =	stream.indirect.scatter.add.f32 [tilespmem:s11], [sflag:$0x1], $0x1, s19, s10, $0xb8;
	[tilespmem:$0x4580] =	vst v63  }
0x66: {  	s19 =	sadd.s32 $0x180, s20  }
0x67: {  	[spmem:s1] =	stream.indirect.scatter.add.f32 [tilespmem:s11], [sflag:$0x1], $0x1, s19, s10, $0xb8;
	[tilespmem:$0x4580] =	vst v63  }
0x68: {  	s19 =	sadd.s32 $0x200, s20  }
0x69: {  	[spmem:s1] =	stream.indirect.scatter.add.f32 [tilespmem:s11], [sflag:$0x1], $0x1, s19, s10, $0xb8;
	[tilespmem:$0x4580] =	vst v63  }
0x6a: {  	_ =	swait.ge [sflag:s12], $0x50  }
0x6b: {  	[sflag:s12] =	ssyncset.done $0x0  }
0x6c: {  	[sflag:s12] =	ssyncadd.s32 $0xFFFFFFB0  }
0x6d: {  	_ =	swait.ge [sflag:s12], $0x50  }
0x6e: {  	[sflag:s12] =	ssyncset.done $0x0  }
0x6f: {  	[sflag:s12] =	ssyncadd.s32 $0xFFFFFFB0  }
0x70: {  	_ =	swait.ge [sflag:s12], $0x50  }
0x71: {  	[sflag:s12] =	ssyncset.done $0x0  }
0x72: {  	[sflag:s12] =	ssyncadd.s32 $0xFFFFFFB0  }
.Ltmp0:
0x73: {  	_ =	swait.ge [sflag:s12], $0x50;
	(pc) =	sbr.rel @p0 .LBB2_2-.Ltmp0, $4  }
0x74: {  	[sflag:s12] =	ssyncset.done $0x0  }
0x75: {  	[sflag:s12] =	ssyncadd.s32 $0xFFFFFFB0  }
0x76: {  	_ =	swait.ge [sflag:s12], $0x50  }
0x77: {  	s19 =	smov.u32 s21;
	[sflag:s12] =	ssyncset.done $0x0  }
0x78: {  	s18 =	sshra.s32 s18, $0x2;
	[sflag:s12] =	ssyncadd.s32 $0xFFFFFFB0  }
0x79: {  	[spmem:s1] =	stream.indirect.scatter.add.f32 [tilespmem:s11], [sflag:$0x1], $0x1, s18, s10, $0xb8;
	[tilespmem:$0x4580] =	vst v63  }
0x7a: {  	s19 =	sadd.s32 $0x80, s18  }
0x7b: {  	[spmem:s1] =	stream.indirect.scatter.add.f32 [tilespmem:s11], [sflag:$0x1], $0x1, s19, s10, $0xb8;
	[tilespmem:$0x4580] =	vst v63  }
0x7c: {  	s30 =	sadd.s32 $0x100, s18  }
0x7d: {  	[spmem:s1] =	stream.indirect.scatter.add.f32 [tilespmem:s11], [sflag:$0x1], $0x1, s30, s10, $0xb8;
	[tilespmem:$0x4580] =	vst v63  }
0x7e: {  	s31 =	sadd.s32 $0x180, s18  }
0x7f: {  	[spmem:s1] =	stream.indirect.scatter.add.f32 [tilespmem:s11], [sflag:$0x1], $0x1, s31, s10, $0xb8;
	[tilespmem:$0x4580] =	vst v63  }
0x80: {  	s18 =	sadd.s32 $0x200, s18  }
0x81: {  	[spmem:s1] =	stream.indirect.scatter.add.f32 [tilespmem:s11], [sflag:$0x1], $0x1, s18, s10, $0xb8;
	[tilespmem:$0x4580] =	vst v63  }
0x82: {  	_ =	swait.ge [sflag:s12], $0x50  }
0x83: {  	[sflag:s12] =	ssyncset.done $0x0  }
0x84: {  	[sflag:s12] =	ssyncadd.s32 $0xFFFFFFB0  }
0x85: {  	_ =	swait.ge [sflag:s12], $0x50  }
0x86: {  	[sflag:s12] =	ssyncset.done $0x0  }
0x87: {  	[sflag:s12] =	ssyncadd.s32 $0xFFFFFFB0  }
0x88: {  	_ =	swait.ge [sflag:s12], $0x50  }
0x89: {  	[sflag:s12] =	ssyncset.done $0x0  }
0x8a: {  	[sflag:s12] =	ssyncadd.s32 $0xFFFFFFB0  }
0x8b: {  	_ =	swait.ge [sflag:s12], $0x50  }
0x8c: {  	[sflag:s12] =	ssyncset.done $0x0  }
0x8d: {  	[sflag:s12] =	ssyncadd.s32 $0xFFFFFFB0  }
0x8e: {  	_ =	swait.ge [sflag:s12], $0x50  }
0x8f: {  	s17 =	sadd.s32 $0x1, s17;
	[sflag:s12] =	ssyncset.done $0x0  }
0x90: {  	p0 =	sne.s32 s17, s7;
	[sflag:s12] =	ssyncadd.s32 $0xFFFFFFB0  }
.Ltmp1:
0x91: {  	[bflag:$0x0] =	sbarrier.arrive $0xFFFF;
	(pc) =	sbr.rel @p0 .LBB2_1-.Ltmp1, $4  }
0x92: {  	[hbm:s6@s15], [sflag:s13] =	dma.strided [spmem:s14@s16], $0x50, s12, $0x10   }
0x93: {  	_ =	swait.ge [sflag:s8], $0x50  }
0x94: {  	[sflag:s8] =	ssyncset.done $0x0  }
0x95: {  	[sflag:s8] =	ssyncadd.s32 $0xFFFFFFB0  }
0x96: {  	_ =	sfence.sel $0x180000  }
0x97: {  	[bflag:$0x0] =	sbarrier.arrive $0xFFFF  }
0x98: {  	p0 =	sne.s32 s2, $0x0;
	_ =	strace $0x90000047  }
0x99: {  	s0 =	sadd.s32 @!p0 $0x100000, s0;
	[bflag:$0x2] =	sbarrier.arrive $0xFFFF  }
0x9a: {  	[sflag:s0] =	ssyncadd.tile.s32 @!p0 $0x1;
	_ =	shalt  }
.Lfunc_end2:
_tile_overlayer_lowered:
.L_overlay_start_2:
0x9b: {  	(tag) =	ssettag $0x2  }
0x9c: {  	s0 =	rddreg [dreg:$0x0];
	s2 =	stileid.u32  }
0x9d: {  	s1 =	rddreg [dreg:$0x1];
	p0 =	sne.s32 s2, $0x0  }
0x9e: {  	s3 =	rddreg [dreg:$0x2];
	[bflag:$0x3] =	sbarrier.arrive $0xFFFF;
	s2 =	simm.s32 @!p0 $0x1C02  }
0x9f: {  	[timem:s3], [sflag:s2] =	dma.local @!p0 [hbm:s0], s1  }
0xa0: {  	s0 =	simm.s32 @!p0 $0x2  }
0xa1: {  	_ =	swait.ge @!p0 [sflag:s0], s1  }
0xa2: {  	s1 =	ssub.s32 @!p0 $0x0, s1;
	[sflag:s0] =	ssyncset.done @!p0 $0x0  }
0xa3: {  	[sflag:s0] =	ssyncadd.s32 @!p0 s1  }
0xa4: {  	[bflag:$0x3] =	sbarrier.arrive $0xFFFF  }
0xa5: {  	_ =	shalt  }

// kernel: kernel.9.cloned.1.call-start
scs
__scs_entry_jumppad:
0x0: {  	(pc) =	sbr.rel $0x88, $3  }
0x1: {  	(tag) =	ssettag $0x0;
	lr =	simm.s32 $0x1  }
0x2: {  	[smem:$0x3F9B] =	sst lr;
	_ =	strace $0xD0000000  }
0x3: {  	_ = 	snop  }
0x4: {  	_ = 	snop  }
0x5: {  	_ = 	snop  }
0x6: {  	_ = 	snop  }
0x7: {  	_ = 	snop  }
__scs_overlays_trampoline_lowered:
0x8: {  	[smem:$0x3FAA] =	sst s0  }
0x9: {  	[smem:$0x3FAB] =	sst s1  }
0xa: {  	[smem:$0x3FAC] =	sst s2  }
0xb: {  	[smem:$0x3FAD] =	sst s3  }
0xc: {  	[smem:$0x3FAE] =	sst s4  }
0xd: {  	[smem:$0x3FAF] =	sst s5  }
0xe: {  	[smem:$0x3FB0] =	sst s6  }
0xf: {  	[smem:$0x3FB1] =	sst s7  }
0x10: {  	[smem:$0x3FB2] =	sst s8  }
0x11: {  	[smem:$0x3FB3] =	sst s9;
	s0 =	simm.s32 @!p0 $0x0  }
0x12: {  	s1 =	sld [smem:$0x3F99];
	s0 =	simm.s32 @p0 $0x1  }
0x13: {  	[smem:$0x3FB4] =	sst s0;
	s0 =	simm.s32 @!p1 $0x0  }
0x14: {  	s2 =	sld [smem:$0x3F98];
	s0 =	simm.s32 @p1 $0x1  }
0x15: {  	[smem:$0x3FB5] =	sst s0;
	s0 =	simm.s32 @!p2 $0x0  }
0x16: {  	s3 =	sld [smem:$0x3FDB];
	s0 =	simm.s32 @p2 $0x1  }
0x17: {  	s4 =	simm.s32 $0x1BF5;
	[smem:$0x3FB7] =	sst s0  }
0x18: {  	s0 =	sld [smem:$0x3F9A];
	_ =	swait.ge [sflag:s4], $0x0  }
0x19: {  	s7 =	sld [smem:$0x3F9B]  }
0x1a: {  	s8 =	sadd.s32 $0xFFFFE003, lr  }
0x1b: {  	s9 =	sadd.s32 $0xFFFFFEF7, lr;
	s5 =	simm.s32 $0xFFFFFFFF;
	p2 =	slt.u32 s8, $0xFFFFF086  }
0x1c: {  	p1 =	slt.u32 s9, $0xF7A;
	s5 =	simm.s32 @!p2 $0x0  }
0x1d: {  	s5 =	simm.s32 @p1 $0x1;
	p0 =	seq.s32 s7, s2  }
0x1e: {  	s7 =	smul.u32 @!p0 $0xF7A, s2;
	p2 =	seq.s32 @!p0 s5, $0x0  }
0x1f: {  	s9 =	smul.u32 $0xF7A, s1;
	s8 =	simm.s32 @!p0 $0x1BF5;
	p2 =	por !p2, p0  }
0x20: {  	[sflag:s8] =	ssyncset.s32 @!p0 $0xFFFFF086;
	s6 =	sadd.s32 @!p0 s3, s7;
	s7 =	simm.s32 @!p0 $0x108  }
0x21: {  	s3 =	sadd.s32 s3, s9;
	s6 =	sadd.s32 @!p0 $0x88, s6;
	s7 =	simm.s32 @p2 $0x1082  }
0x22: {  	[simem:s7], [sflag:s8] =	dma.local @!p0 [hbm:s6], $0xF7A  }
0x23: {  	s9 =	sor.u32 $0xD0000000, s2;
	s6 =	simm.s32 $0x108;
	_ =	swait.ge @!p0 [sflag:s8], $0x0  }
0x24: {  	s3 =	sadd.s32 $0x88, s3;
	s6 =	simm.s32 @!p1 $0x1082;
	[sflag:s4] =	ssyncset.s32 $0xFFFFF086  }
0x25: {  	[simem:s6], [sflag:s4] =	dma.local [hbm:s3], $0xF7A  }
0x26: {  	[smem:$0x3F9B] =	sst s1;
	(tag) =	ssettag s2;
	_ =	strace s9  }
0x27: {  	s1 =	sld [smem:$0x3FAB]  }
0x28: {  	s2 =	sld [smem:$0x3FAC]  }
0x29: {  	s4 =	sld [smem:$0x3FAE]  }
0x2a: {  	p0 =	seq.s32 s5, $0x0;
	s5 =	sld [smem:$0x3FAF]  }
0x2b: {  	s6 =	sld [smem:$0x3FB0]  }
0x2c: {  	s7 =	sld [smem:$0x3FB1]  }
0x2d: {  	s3 =	simm.s32 $0x108;
	s8 =	sld [smem:$0x3FB2]  }
0x2e: {  	s3 =	simm.s32 @!p0 $0x1082;
	s9 =	sld [smem:$0x3FB3]  }
0x2f: {  	lr =	sadd.s32 s0, s3;
	s0 =	sld [smem:$0x3FAA]  }
0x30: {  	s3 =	sld [smem:$0x3FAD]  }
0x31: {  	[smem:$0x3FB6] =	sst s10  }
0x32: {  	s10 =	sld [smem:$0x3FB4];
	_ =	sdelay $0x3  }
0x33: {  	p0 =	seq.s32 s10, $0x1;
	s10 =	sld [smem:$0x3FB6];
	_ =	sdelay $0x3  }
0x34: {  	[smem:$0x3FB6] =	sst s10  }
0x35: {  	s10 =	sld [smem:$0x3FB5];
	_ =	sdelay $0x3  }
0x36: {  	p1 =	seq.s32 s10, $0x1;
	s10 =	sld [smem:$0x3FB6];
	_ =	sdelay $0x3  }
0x37: {  	[smem:$0x3FB6] =	sst s10  }
0x38: {  	s10 =	sld [smem:$0x3FB7]  }
0x39: {  	_ = 	snop;
	(pc) =	sbr.ind lr, $3  }
0x3a: {  	_ = 	snop  }
0x3b: {  	_ = 	snop  }
0x3c: {  	p2 =	seq.s32 s10, $0x1;
	s10 =	sld [smem:$0x3FB6]  }
0x3d: {  	_ =	shalt  }
0x3e: {  	_ =	shalt  }
0x3f: {  	_ =	shalt  }
0x40: {  	_ =	shalt  }
0x41: {  	_ =	shalt  }
0x42: {  	_ =	shalt  }
0x43: {  	_ =	shalt  }
0x44: {  	_ =	shalt  }
0x45: {  	_ =	shalt  }
0x46: {  	_ =	shalt  }
0x47: {  	_ =	shalt  }
0x48: {  	_ =	shalt  }
0x49: {  	_ =	shalt  }
0x4a: {  	_ =	shalt  }
0x4b: {  	_ =	shalt  }
0x4c: {  	_ =	shalt  }
0x4d: {  	_ =	shalt  }
0x4e: {  	_ =	shalt  }
0x4f: {  	_ =	shalt  }
0x50: {  	_ =	shalt  }
0x51: {  	_ =	shalt  }
0x52: {  	_ =	shalt  }
0x53: {  	_ =	shalt  }
0x54: {  	_ =	shalt  }
0x55: {  	_ =	shalt  }
0x56: {  	_ =	shalt  }
0x57: {  	_ =	shalt  }
0x58: {  	_ =	shalt  }
0x59: {  	_ =	shalt  }
0x5a: {  	_ =	shalt  }
0x5b: {  	_ =	shalt  }
0x5c: {  	_ =	shalt  }
0x5d: {  	_ =	shalt  }
0x5e: {  	_ =	shalt  }
0x5f: {  	_ =	shalt  }
0x60: {  	_ =	shalt  }
0x61: {  	_ =	shalt  }
0x62: {  	_ =	shalt  }
0x63: {  	_ =	shalt  }
0x64: {  	_ =	shalt  }
0x65: {  	_ =	shalt  }
0x66: {  	_ =	shalt  }
0x67: {  	_ =	shalt  }
0x68: {  	_ =	shalt  }
0x69: {  	_ =	shalt  }
0x6a: {  	_ =	shalt  }
0x6b: {  	_ =	shalt  }
0x6c: {  	_ =	shalt  }
0x6d: {  	_ =	shalt  }
0x6e: {  	_ =	shalt  }
0x6f: {  	_ =	shalt  }
0x70: {  	_ =	shalt  }
0x71: {  	_ =	shalt  }
0x72: {  	_ =	shalt  }
0x73: {  	_ =	shalt  }
0x74: {  	_ =	shalt  }
0x75: {  	_ =	shalt  }
0x76: {  	_ =	shalt  }
0x77: {  	_ =	shalt  }
0x78: {  	_ =	shalt  }
0x79: {  	_ =	shalt  }
0x7a: {  	_ =	shalt  }
0x7b: {  	_ =	shalt  }
0x7c: {  	_ =	shalt  }
0x7d: {  	_ =	shalt  }
0x7e: {  	_ =	shalt  }
0x7f: {  	_ =	shalt  }
0x80: {  	_ =	shalt  }
0x81: {  	_ =	shalt  }
0x82: {  	_ =	shalt  }
0x83: {  	_ =	shalt  }
0x84: {  	_ =	shalt  }
0x85: {  	_ =	shalt  }
0x86: {  	_ =	shalt  }
0x87: {  	_ =	shalt  }
.Lfunc_end0:
.L_simem_size_0:
called_computation.1_lowered:
.L_overlay_start_0:
0x88: {  	s2 =	sld [smem:$0x3FD9]  }
0x89: {  	s3 =	sld [smem:$0x3FFE];
	_ =	sdelay $0x1  }
0x8a: {  	s1 =	srdreg.scid  }
0x8b: {  	s0 =	sand.u32 $0x1, s1  }
0x8c: {  	s14 =	sshll.u32 s0, $0xA;
	s2 =	sadd.s32 s3, s2  }
0x8d: {  	s2 =	sadd.s32 s2, s14  }
0x8e: {  	[smem:$0x3FC2] =	sst s2  }
0x8f: {  	_ = 	snop  }
0x90: {  	s2 =	sld [smem:$0x3FD0];
	_ =	sdelay $0x2  }
0x91: {  	s15 =	simm.s32 $0xA;
	s4 =	simm.s32 $0x10  }
0x92: {  	[smem:s4], [sflag:s15] =	dma.local [hbm:s2], $0x1  }
0x93: {  	_ =	swait.eq [sflag:s15], $0x1  }
0x94: {  	[sflag:s15] =	ssyncset.done $0x0  }
0x95: {  	[sflag:s15] =	ssyncadd.s32 $0xFFFFFFFF  }
0x96: {  	s16 =	sld [smem:$0x10];
	(tm) =	ssettm $0x1  }
0x97: {  	s17 =	sld [smem:$0x3FFB];
	_ =	sdelay $0x3  }
0x98: {  	_ =	strace s17  }
0x99: {  	s3 =	sld [smem:$0x3FFC];
	_ =	sdelay $0x3  }
0x9a: {  	_ =	strace s3  }
0x9b: {  	s3 =	sld [smem:$0x3FFD];
	_ =	sdelay $0x3  }
0x9c: {  	_ =	strace s3  }
0x9d: {  	_ =	strace $0x8FFFFFFF  }
0x9e: {  	s18 =	sld [smem:$0x3FDB];
	_ =	sdelay $0x1  }
0x9f: {  	s19 =	simm.s32 $_scs_section_size  }
0xa0: {  	s5 =	simm.s32 $_size__tile_overlayer_lowered;
	s6 =	simm.s32 $_tile_overlayer_lowered  }
0xa1: {  	s22 =	simm.s32 $0x1BFF;
	s21 =	sshll.u32 s6, $0x1;
	s3 =	sadd.s32 s19, s18  }
0xa2: {  	s7 =	simm.s32 $0x0;
	s20 =	sshll.u32 s5, $0x1;
	s5 =	sadd.s32 s21, s3  }
0xa3: {  	[timem:s7], [sflag:s22] =	dma.local [hbm:s5], s20  }
0xa4: {  	_ =	swait.ge [sflag:s22], s20  }
0xa5: {  	s4 =	ssub.s32 $0x0, s20;
	[sflag:s22] =	ssyncset.done $0x0  }
0xa6: {  	[sflag:s22] =	ssyncadd.s32 s4;
	_ =	sdelay $0x1  }
0xa7: {  	s23 =	simm.s32 $0x1B8B  }
0xa8: {  	_ =	swait.ge [sflag:s23], $0x1  }
0xa9: {  	[sflag:s23] =	ssyncset.done $0x0  }
0xaa: {  	s25 =	simm.s32 $0x1B8E;
	s24 =	sld [smem:$0x3FFE];
	[sflag:s23] =	ssyncadd.s32 $0xFFFFFFFF  }
0xab: {  	s26 =	simm.s32 $execute0_lowered;
	[smem:$0x3FD2] =	sst s25  }
0xac: {  	s5 =	sshll.u32 s26, $0x1;
	_ =	strace $0x80000049;
	[dreg:$0x1] =	wrdreg $0xFFFFFFFF  }
0xad: {  	s28 =	simm.s32 $_size_execute0_lowered;
	s3 =	sadd.s32 s3, s5;
	[dreg:$0x0] =	wrdreg $0x0  }
0xae: {  	s5 =	sshll.u32 s28, $0x1;
	[dreg:$0x2] =	wrdreg s3  }
0xaf: {  	[dreg:$0x3] =	wrdreg s5  }
0xb0: {  	[dreg:$0x4] =	wrdreg $0xC0  }
0xb1: {  	_ =	task [dreg:s7], $0x5FFFF  }
0xb2: {  	[dreg:$0x1] =	wrdreg $0xFFFFFFFF  }
0xb3: {  	[dreg:$0x0] =	wrdreg $0x60  }
0xb4: {  	[dreg:$0x2] =	wrdreg s16  }
0xb5: {  	[dreg:$0x3] =	wrdreg s24  }
0xb6: {  	[dreg:$0x4] =	wrdreg $0x7B000  }
0xb7: {  	[dreg:$0x5] =	wrdreg $0x9  }
0xb8: {  	_ =	task.clear_ibuf [dreg:s7], $0x6FFFF;
	_ =	strace $0x90000049  }
0xb9: {  	s29 =	simm.s32 $0x9;
	_ =	strace $0x8000004B  }
0xba: {  	_ =	swait.ge [sflag:s29], $0x1  }
0xbb: {  	[sflag:s29] =	ssyncadd.s32 $0xFFFFFFFF  }
0xbc: {  	_ =	strace $0x9000004B  }
0xbd: {  	_ =	sfence  }
0xbe: {  	s30 =	sld [smem:$0x0];
	_ =	sdelay $0x2  }
0xbf: {  	s31 =	sshll.u32 s1, $0xD;
	s1 =	sshrl.u32 s1, $0x2  }
0xc0: {  	s3 =	sand.u32 $0x4000, s31;
	s1 =	sadd.s32 s1, s30  }
0xc1: {  	s0 =	sor.u32 s3, s0;
	s1 =	sshll.u32 s1, $0x11  }
0xc2: {  	s0 =	sor.u32 s1, s0  }
0xc3: {  	s0 =	sadd.s32 $0x8F2B, s0  }
0xc4: {  	[sflag:s0] =	ssyncadd.remote.s32 $0x1  }
0xc5: {  	_ =	sfence.sel $0xFFFF  }
0xc6: {  	[dreg:$0x0] =	wrdreg $0xFFFFFFFF;
	(pc) =	sbr.abs _section_cstart, $3  }
0xc7: {  	[dreg:$0x1] =	wrdreg $0xFFFFFFFF  }
0xc8: {  	_ =	task.clear_ibuf [dreg:s7], $0x2FFFF;
	_ =	strace $0x9FFFFFFF  }
0xc9: {  	(tm) =	ssettm $0x7FFFFFFF  }
tec
execute0_lowered:
.L_overlay_start_1:
0x0: {  	(tag) =	ssettag $0x1  }
0x1: {  	s1 =	rddreg [dreg:$0x0]  }
0x2: {  	s0 =	rddreg [dreg:$0x1]  }
0x3: {  	s2 =	rddreg [dreg:$0x2];
	s3 =	srdreg.scid;
	s4 =	simm.s32 $0x0  }
0x4: {  	s12 =	stileid.u32;
	s30 =	simm.s32 $0x10;
	s28 =	simm.s32 $0x200  }
0x5: {  	s31 =	simm.s32 $0x1;
	s29 =	simm.s32 $0x6;
	s6 =	smul.u32 $0x14000, s12  }
0x6: {  	s3 =	sand.u32 $0x1, s3;
	[smem:$0x7FF] =	sst s4;
	s9 =	smul.u32 $0x50000, s12  }
0x7: {  	s7 =	sadd.s32 $0x11A00, s0;
	s8 =	sadd.s32 $0x2000, s0;
	s23 =	smul.u32 $0x7D0, s12  }
0x8: {  	s5 =	smul.u32 $0x140000, s3;
	_ =	strace $0x8000004A;
	s26 =	ssub.s32 $0x2, s3  }
0x9: {  	s25 =	sshll.u32 s3, $0x4;
	s3 =	smul.u32 $0x7D00, s3;
	s10 =	sshrl.u32 s26, $0x1  }
0xa: {  	s9 =	sshrl.u32 s9, $0x2;
	s5 =	sadd.s32 s6, s5;
	s6 =	sor.u32 s12, s25  }
0xb: {  	s25 =	sadd.s32 s9, s2;
	s24 =	sadd.s32 s3, s8;
	s12 =	simm.s32 $0xD  }
0xc: {  	s5 =	sshrl.u32 s5, $0x3;
	s9 =	sadd.s32 $0x2800, s25;
	[dreg:$0x4] =	wrdreg s25  }
0xd: {  	s11 =	smul.u32 $0x3E80, s6;
	s2 =	sadd.s32 $0x5000, s25;
	[dreg:$0x5] =	wrdreg s9  }
0xe: {  	s6 =	smul.u32 $0x280, s6;
	s13 =	sadd.s32 $0xA000, s25;
	[dreg:$0x6] =	wrdreg s2  }
0xf: {  	s15 =	sadd.s32 $0xC800, s25;
	s16 =	sadd.s32 $0xF000, s25;
	[dreg:$0x8] =	wrdreg s13  }
0x10: {  	s17 =	sadd.s32 $0x11800, s25;
	s0 =	sadd.s32 s5, s0;
	[dreg:$0x9] =	wrdreg s15  }
0x11: {  	s5 =	ssub.s32 s26, s10;
	s10 =	sadd.s32 $0x7800, s25;
	[dreg:$0xa] =	wrdreg s16  }
0x12: {  	[dreg:$0xb] =	wrdreg s17;
	s26 =	sadd.s32 s3, s7;
	s15 =	simm.s32 $0xA  }
0x13: {  	s16 =	simm.s32 $0x4;
	s17 =	simm.s32 $0x50;
	s3 =	simm.s32 $0xE  }
0x14: {  	s13 =	simm.s32 $0xF;
	s2 =	simm.s32 $0x0;
	[dreg:$0x7] =	wrdreg s10  }
0x15: {  	s14 =	sand.u32 $0x7FC00, s11;
	s6 =	sand.u32 $0x380, s6;
	s18 =	sshrl.u32 s11, $0x3  }
0x16: {  	s0 =	sadd.s32 $0x21400, s0;
	s5 =	smax.u32 s5, $0x1;
	s10 =	simm.s32 $0x5300  }
0x17: {  	s6 =	sor.u32 s6, s14;
	s20 =	sadd.s32 $0x10, s18;
	[dreg:$0x12] =	wrdreg s0  }
0x18: {  	s9 =	sadd.s32 $0x20, s18;
	[dreg:$0x13] =	wrdreg s5;
	s0 =	sadd.s32 s23, s24  }
0x19: {  	s14 =	simm.s32 $0x7;
	s18 =	simm.s32 $0x8;
	s5 =	simm.s32 $0x9  }
0x1a: {  	s24 =	simm.s32 $0xC;
	s6 =	sshrl.u32 s6, $0x3;
	s21 =	sadd.s32 s7, s20  }
0x1b: {  	s22 =	sadd.s32 s7, s9;
	s9 =	sadd.s32 s8, s9;
	[dreg:$0x14] =	wrdreg s0  }
0x1c: {  	s0 =	simm.s32 $0x28;
	s19 =	sadd.s32 s7, s6;
	[dreg:$0xe] =	wrdreg s21  }
.Ltmp0:
0x1d: {  	s6 =	sadd.s32 s8, s6;
	[dreg:$0x10] =	wrdreg s22;
	(pc) =	sbr.rel .LBB2_1-.Ltmp0, $4  }
0x1e: {  	[dreg:$0x11] =	wrdreg s9;
	s22 =	sadd.s32 s23, s26;
	s26 =	simm.s32 $0x180  }
0x1f: {  	s21 =	simm.s32 $0x2B00;
	s23 =	simm.s32 $0x2B00;
	[dreg:$0xc] =	wrdreg s19  }
0x20: {  	[dreg:$0xd] =	wrdreg s6;
	s6 =	sadd.s32 s8, s20;
	s19 =	simm.s32 $0xB  }
0x21: {  	v0 =	vimm.f32 $0.0e+00;
	s20 =	simm.s32 $0x5;
	[dreg:$0xf] =	wrdreg s6;
	s6 =	simm.s32 $0x2  }
.LBB2_6:
0x22: {  	_ =	swait.ge [sflag:s14], $0x1400  }
0x23: {  	[sflag:s14] =	ssyncset.done $0x0  }
0x24: {  	[sflag:s14] =	ssyncadd.s32 $0xFFFFEC00  }
0x25: {  	_ =	swait.ge [sflag:s15], $0x1400  }
0x26: {  	[sflag:s15] =	ssyncset.done $0x0  }
0x27: {  	[sflag:s15] =	ssyncadd.s32 $0xFFFFEC00  }
0x28: {  	_ =	swait.ge [sflag:s16], $0x80  }
0x29: {  	[sflag:s16] =	ssyncset.done $0x0  }
0x2a: {  	[sflag:s16] =	ssyncadd.s32 $0xFFFFFF80  }
0x2b: {  	s2 =	rddreg [dreg:$0x2]  }
0x2c: {  	[spmem:s2] =	stream.indirect.scatter.add.f32 [tilespmem:s25], [sflag:$0xD], $0x80, s26, s17, $0xb8;
	[tilespmem:$0x1BB00] =	vst v63  }
0x2d: {  	_ =	swait.ge [sflag:s12], $0x2800  }
0x2e: {  	[sflag:s12] =	ssyncset.done $0x0  }
0x2f: {  	[sflag:s12] =	ssyncadd.s32 $0xFFFFD800  }
0x30: {  	_ =	swait.ge [sflag:s18], $0x1400  }
0x31: {  	[sflag:s18] =	ssyncset.done $0x0  }
0x32: {  	[sflag:s18] =	ssyncadd.s32 $0xFFFFEC00  }
0x33: {  	_ =	swait.ge [sflag:s19], $0x1400  }
0x34: {  	[sflag:s19] =	ssyncset.done $0x0  }
0x35: {  	[sflag:s19] =	ssyncadd.s32 $0xFFFFEC00  }
0x36: {  	_ =	swait.ge [sflag:s20], $0x80  }
0x37: {  	[sflag:s20] =	ssyncset.done $0x0  }
0x38: {  	[sflag:s20] =	ssyncadd.s32 $0xFFFFFF80  }
0x39: {  	[spmem:s2] =	stream.indirect.scatter.add.f32 [tilespmem:s21], [sflag:$0xE], $0x80, s28, s17, $0xb8;
	[tilespmem:$0x1BB00] =	vst v63  }
0x3a: {  	_ =	swait.ge [sflag:s3], $0x2800  }
0x3b: {  	[sflag:s3] =	ssyncset.done $0x0  }
0x3c: {  	[sflag:s3] =	ssyncadd.s32 $0xFFFFD800  }
0x3d: {  	s8 =	stileid.u32;
	[bflag:$0x0] =	sbarrier.arrive $0xFFFF  }
0x3e: {  	s8 =	sshll.u32 s8, $0x6;
	s25 =	rddreg [dreg:$0x4]  }
0x3f: {  	s8 =	sor.u32 $0x1C10, s8;
	s30 =	rddreg [dreg:$0x12];
	s9 =	sshrl.u32 s25, $0x3  }
0x40: {  	[hbm:s30], [sflag:s8] =	dma.local [spmem:s9], $0x2800  }
0x41: {  	s30 =	simm.s32 $0x10  }
0x42: {  	_ =	swait.ge [sflag:s30], $0x2800  }
0x43: {  	s9 =	rddreg [dreg:$0x15]  }
0x44: {  	s11 =	rddreg [dreg:$0x13];
	s2 =	sadd.s32 $0x1, s9  }
0x45: {  	p0 =	sne.s32 s2, s11  }
.Ltmp1:
0x46: {  	_ = 	snop;
	(pc) =	sbr.rel @!p0 .LBB2_7-.Ltmp1, $3  }
0x47: {  	_ =	sdelay $0x1  }
0x48: {  	[sflag:s30] =	ssyncset.done $0x0  }
0x49: {  	[sflag:s30] =	ssyncadd.s32 $0xFFFFD800  }
.LBB2_1:
0x4a: {  	[dreg:$0x15] =	wrdreg s2;
	s8 =	simm.s32 $0x0;
	s9 =	simm.s32 $0x200  }
.LBB2_2:
0x4b: {  	p0 =	sne.s32 s9, $0x9E00;
	[tilespmem:s8+$0x370] =	vst v0  }
0x4c: {  	[tilespmem:s8+$0x300] =	vst v0  }
0x4d: {  	[tilespmem:s8+$0x310] =	vst v0  }
.Ltmp2:
0x4e: {  	[tilespmem:s8+$0x320] =	vst v0;
	(pc) =	sbr.rel @p0 .LBB2_2-.Ltmp2, $4  }
0x4f: {  	[tilespmem:s8+$0x330] =	vst v0  }
0x50: {  	[tilespmem:s8+$0x340] =	vst v0  }
0x51: {  	[tilespmem:s8+$0x350] =	vst v0  }
0x52: {  	[tilespmem:s8+$0x360] =	vst v0;
	s8 =	sshra.s32 s9, $0x2;
	s9 =	sadd.s32 $0x200, s9  }
0x53: {  	[tilespmem:s8+$0x370] =	vst v0  }
0x54: {  	[tilespmem:s8+$0x300] =	vst v0  }
0x55: {  	[tilespmem:s8+$0x310] =	vst v0  }
0x56: {  	[tilespmem:s8+$0x320] =	vst v0  }
0x57: {  	[tilespmem:s8+$0x330] =	vst v0  }
0x58: {  	[tilespmem:s8+$0x340] =	vst v0  }
0x59: {  	[tilespmem:s8+$0x350] =	vst v0  }
0x5a: {  	[tilespmem:s8+$0x360] =	vst v0;
	s7 =	simm.s32 $0x300  }
0x5b: {  	[spmem:s25] =	stream.linear.scatter [tilespmem:s7], [sflag:$0x10], $0x2800, $0x38;
	[tilespmem:$0x1BB00] =	vst v63  }
0x5c: {  	_ =	swait.ge [sflag:s30], $0x2800  }
0x5d: {  	[sflag:s30] =	ssyncset.done $0x0  }
0x5e: {  	s2 =	rddreg [dreg:$0x5];
	[sflag:s30] =	ssyncadd.s32 $0xFFFFD800  }
0x5f: {  	[spmem:s2] =	stream.linear.scatter [tilespmem:s7], [sflag:$0x10], $0x2800, $0x38;
	[tilespmem:$0x1BB00] =	vst v63  }
0x60: {  	_ =	swait.ge [sflag:s30], $0x2800  }
0x61: {  	[sflag:s30] =	ssyncset.done $0x0  }
0x62: {  	s9 =	rddreg [dreg:$0x6];
	[sflag:s30] =	ssyncadd.s32 $0xFFFFD800  }
0x63: {  	[spmem:s9] =	stream.linear.scatter [tilespmem:s7], [sflag:$0x10], $0x2800, $0x38;
	[tilespmem:$0x1BB00] =	vst v63  }
0x64: {  	_ =	swait.ge [sflag:s30], $0x2800  }
0x65: {  	[sflag:s30] =	ssyncset.done $0x0  }
0x66: {  	s11 =	rddreg [dreg:$0x7];
	[sflag:s30] =	ssyncadd.s32 $0xFFFFD800  }
0x67: {  	[spmem:s11] =	stream.linear.scatter [tilespmem:s7], [sflag:$0x10], $0x2800, $0x38;
	[tilespmem:$0x1BB00] =	vst v63  }
0x68: {  	_ =	swait.ge [sflag:s30], $0x2800  }
0x69: {  	[sflag:s30] =	ssyncset.done $0x0  }
0x6a: {  	s25 =	rddreg [dreg:$0x8];
	[sflag:s30] =	ssyncadd.s32 $0xFFFFD800  }
0x6b: {  	[spmem:s25] =	stream.linear.scatter [tilespmem:s7], [sflag:$0x10], $0x2800, $0x38;
	[tilespmem:$0x1BB00] =	vst v63  }
0x6c: {  	_ =	swait.ge [sflag:s30], $0x2800  }
0x6d: {  	[sflag:s30] =	ssyncset.done $0x0  }
0x6e: {  	s2 =	rddreg [dreg:$0x9];
	[sflag:s30] =	ssyncadd.s32 $0xFFFFD800  }
0x6f: {  	[spmem:s2] =	stream.linear.scatter [tilespmem:s7], [sflag:$0x10], $0x2800, $0x38;
	[tilespmem:$0x1BB00] =	vst v63  }
0x70: {  	_ =	swait.ge [sflag:s30], $0x2800  }
0x71: {  	[sflag:s30] =	ssyncset.done $0x0  }
0x72: {  	s9 =	rddreg [dreg:$0xa];
	[sflag:s30] =	ssyncadd.s32 $0xFFFFD800  }
0x73: {  	[spmem:s9] =	stream.linear.scatter [tilespmem:s7], [sflag:$0x10], $0x2800, $0x38;
	[tilespmem:$0x1BB00] =	vst v63  }
0x74: {  	_ =	swait.ge [sflag:s30], $0x2800  }
0x75: {  	[sflag:s30] =	ssyncset.done $0x0  }
0x76: {  	s11 =	rddreg [dreg:$0xb];
	[sflag:s30] =	ssyncadd.s32 $0xFFFFD800  }
0x77: {  	[spmem:s11] =	stream.linear.scatter [tilespmem:s7], [sflag:$0x10], $0x2800, $0x38;
	[tilespmem:$0x1BB00] =	vst v63  }
0x78: {  	_ =	swait.ge [sflag:s30], $0x2800  }
0x79: {  	[sflag:s30] =	ssyncset.done $0x0  }
0x7a: {  	[sflag:s30] =	ssyncadd.s32 $0xFFFFD800  }
0x7b: {  	[bflag:$0x0] =	sbarrier.arrive $0xFFFF  }
0x7c: {  	s8 =	simm.s32 $0x0;
	s9 =	rddreg [dreg:$0xc]  }
0x7d: {  	[tilespmem:s8], [sflag:$0x1] =	stream.linear.gather [hbm4b:s9+s8], $0x80, $0x38;
	[tilespmem:$0x1BB00] =	vst v63  }
0x7e: {  	s25 =	rddreg [dreg:$0xd]  }
0x7f: {  	[tilespmem:s26], [sflag:$0x4] =	stream.linear.gather [hbm4b:s25+s8], $0x80, $0x38;
	[tilespmem:$0x1BB00] =	vst v63  }
0x80: {  	s2 =	rddreg [dreg:$0xe];
	s25 =	simm.s32 $0x80  }
0x81: {  	[tilespmem:s25], [sflag:$0x2] =	stream.linear.gather [hbm4b:s2+s8], $0x80, $0x38;
	[tilespmem:$0x1BB00] =	vst v63  }
0x82: {  	s11 =	rddreg [dreg:$0xf]  }
0x83: {  	[tilespmem:s28], [sflag:$0x5] =	stream.linear.gather [hbm4b:s11+s8], $0x80, $0x38;
	[tilespmem:$0x1BB00] =	vst v63  }
0x84: {  	s26 =	rddreg [dreg:$0x10];
	s11 =	simm.s32 $0x100  }
0x85: {  	[tilespmem:s11], [sflag:$0x3] =	stream.linear.gather [hbm4b:s26+s8], $0x80, $0x38;
	[tilespmem:$0x1BB00] =	vst v63  }
0x86: {  	s28 =	rddreg [dreg:$0x11];
	s26 =	simm.s32 $0x280  }
0x87: {  	[tilespmem:s26], [sflag:$0x6] =	stream.linear.gather [hbm4b:s28+s8], $0x80, $0x38;
	[tilespmem:$0x1BB00] =	vst v63  }
0x88: {  	_ =	swait.ge [sflag:s31], $0x80  }
0x89: {  	[sflag:s31] =	ssyncset.done $0x0  }
0x8a: {  	[sflag:s31] =	ssyncadd.s32 $0xFFFFFF80  }
0x8b: {  	[tilespmem:s7], [sflag:$0x7] =	stream.indirect.gather [hbm4b:s1+s0], $0x80, s8, s0, $0xb8;
	[tilespmem:$0x1BB00] =	vst v63  }
0x8c: {  	s2 =	simm.s32 $0x1700  }
0x8d: {  	[tilespmem:s2], [sflag:$0xA] =	stream.indirect.gather [hbm4b:s1+s0], $0x80, s0, s0, $0xb8;
	[tilespmem:$0x1BB00] =	vst v63  }
0x8e: {  	_ =	swait.ge [sflag:s6], $0x80  }
0x8f: {  	[sflag:s6] =	ssyncset.done $0x0  }
0x90: {  	[sflag:s6] =	ssyncadd.s32 $0xFFFFFF80  }
0x91: {  	[tilespmem:s21], [sflag:$0x8] =	stream.indirect.gather [hbm4b:s1+s0], $0x80, s25, s0, $0xb8;
	[tilespmem:$0x1BB00] =	vst v63  }
0x92: {  	s9 =	simm.s32 $0x3F00;
	s2 =	simm.s32 $0xA8;
	s21 =	simm.s32 $0x3  }
0x93: {  	[tilespmem:s9], [sflag:$0xB] =	stream.indirect.gather [hbm4b:s1+s0], $0x80, s2, s0, $0xb8;
	[tilespmem:$0x1BB00] =	vst v63  }
0x94: {  	_ =	swait.ge [sflag:s21], $0x80  }
0x95: {  	[sflag:s21] =	ssyncset.done $0x0  }
0x96: {  	s30 =	simm.s32 $0x5300;
	[sflag:s21] =	ssyncadd.s32 $0xFFFFFF80  }
0x97: {  	[tilespmem:s30], [sflag:$0x9] =	stream.indirect.gather [hbm4b:s1+s0], $0x80, s11, s0, $0xb8;
	[tilespmem:$0x1BB00] =	vst v63  }
0x98: {  	s28 =	simm.s32 $0x6700;
	s25 =	simm.s32 $0x128  }
0x99: {  	[tilespmem:s28], [sflag:$0xC] =	stream.indirect.gather [hbm4b:s1+s0], $0x80, s25, s0, $0xb8;
	[tilespmem:$0x1BB00] =	vst v63  }
.LBB2_4:
0x9a: {  	_ =	swait.ge [sflag:s14], $0x1400  }
0x9b: {  	[sflag:s14] =	ssyncset.done $0x0  }
0x9c: {  	[sflag:s14] =	ssyncadd.s32 $0xFFFFEC00  }
0x9d: {  	_ =	swait.ge [sflag:s15], $0x1400  }
0x9e: {  	[sflag:s15] =	ssyncset.done $0x0  }
0x9f: {  	[sflag:s15] =	ssyncadd.s32 $0xFFFFEC00  }
0xa0: {  	_ =	swait.ge [sflag:s16], $0x80  }
0xa1: {  	[sflag:s16] =	ssyncset.done $0x0  }
0xa2: {  	s28 =	simm.s32 $0x180;
	[sflag:s16] =	ssyncadd.s32 $0xFFFFFF80  }
0xa3: {  	s2 =	simm.s32 $0x300;
	s9 =	sadd.s32 s8, s22;
	s25 =	rddreg [dreg:$0x2]  }
0xa4: {  	[spmem:s25] =	stream.indirect.scatter.add.f32 [tilespmem:s2], [sflag:$0xD], $0x80, s28, s17, $0xb8;
	[tilespmem:$0x1BB00] =	vst v63  }
0xa5: {  	s21 =	sadd.s32 $0x30, s9  }
0xa6: {  	[tilespmem:s4], [sflag:$0x1] =	stream.linear.gather [hbm4b:s21+s4], $0x80, $0x38;
	[tilespmem:$0x1BB00] =	vst v63  }
0xa7: {  	_ =	swait.ge [sflag:s18], $0x1400  }
0xa8: {  	[sflag:s18] =	ssyncset.done $0x0  }
0xa9: {  	[sflag:s18] =	ssyncadd.s32 $0xFFFFEC00  }
0xaa: {  	_ =	swait.ge [sflag:s19], $0x1400  }
0xab: {  	[sflag:s19] =	ssyncset.done $0x0  }
0xac: {  	[sflag:s19] =	ssyncadd.s32 $0xFFFFEC00  }
0xad: {  	_ =	swait.ge [sflag:s20], $0x80  }
0xae: {  	[sflag:s20] =	ssyncset.done $0x0  }
0xaf: {  	s7 =	simm.s32 $0x200;
	[sflag:s20] =	ssyncadd.s32 $0xFFFFFF80  }
0xb0: {  	[spmem:s25] =	stream.indirect.scatter.add.f32 [tilespmem:s23], [sflag:$0xE], $0x80, s7, s17, $0xb8;
	[tilespmem:$0x1BB00] =	vst v63  }
0xb1: {  	s11 =	simm.s32 $0x80;
	s9 =	sadd.s32 $0x40, s9  }
0xb2: {  	[tilespmem:s11], [sflag:$0x2] =	stream.linear.gather [hbm4b:s9+s4], $0x80, $0x38;
	[tilespmem:$0x1BB00] =	vst v63  }
0xb3: {  	_ =	swait.ge [sflag:s5], $0x1400  }
0xb4: {  	[sflag:s5] =	ssyncset.done $0x0  }
0xb5: {  	[sflag:s5] =	ssyncadd.s32 $0xFFFFEC00  }
0xb6: {  	_ =	swait.ge [sflag:s24], $0x1400  }
0xb7: {  	[sflag:s24] =	ssyncset.done $0x0  }
0xb8: {  	[sflag:s24] =	ssyncadd.s32 $0xFFFFEC00  }
0xb9: {  	_ =	swait.ge [sflag:s29], $0x80  }
0xba: {  	p0 =	seq.s32 s8, $0x780;
	[sflag:s29] =	ssyncset.done $0x0  }
0xbb: {  	s9 =	sadd.s32 @!p0 s8, s22;
	[sflag:s29] =	ssyncadd.s32 $0xFFFFFF80  }
0xbc: {  	[spmem:s25] =	stream.indirect.scatter.add.f32 [tilespmem:s30], [sflag:$0xF], $0x80, s26, s17, $0xb8;
	[tilespmem:$0x1BB00] =	vst v63  }
0xbd: {  	s21 =	simm.s32 @!p0 $0x0;
	s9 =	sadd.s32 @!p0 $0x50, s9;
	s30 =	simm.s32 @!p0 $0x100  }
0xbe: {  	[tilespmem:s30], [sflag:$0x3] =	stream.linear.gather @!p0 [hbm4b:s9+s21], $0x80, $0x38;
	[tilespmem:$0x1BB00] =	vst v63  }
0xbf: {  	_ =	swait.ge [sflag:s12], $0x2800  }
0xc0: {  	s21 =	rddreg [dreg:$0x14]  }
0xc1: {  	[sflag:s12] =	ssyncset.done $0x0;
	s9 =	sadd.s32 s8, s21  }
0xc2: {  	[sflag:s12] =	ssyncadd.s32 $0xFFFFD800;
	s25 =	sadd.s32 $0x30, s9  }
0xc3: {  	[tilespmem:s28], [sflag:$0x4] =	stream.linear.gather [hbm4b:s25+s4], $0x80, $0x38;
	[tilespmem:$0x1BB00] =	vst v63  }
0xc4: {  	_ =	swait.ge [sflag:s31], $0x80  }
0xc5: {  	[sflag:s31] =	ssyncset.done $0x0  }
0xc6: {  	[sflag:s31] =	ssyncadd.s32 $0xFFFFFF80  }
0xc7: {  	[tilespmem:s2], [sflag:$0x7] =	stream.indirect.gather [hbm4b:s1+s0], $0x80, s4, s0, $0xb8;
	[tilespmem:$0x1BB00] =	vst v63  }
0xc8: {  	s2 =	simm.s32 $0x1700  }
0xc9: {  	[tilespmem:s2], [sflag:$0xA] =	stream.indirect.gather [hbm4b:s1+s0], $0x80, s0, s0, $0xb8;
	[tilespmem:$0x1BB00] =	vst v63  }
0xca: {  	_ =	swait.ge [sflag:s3], $0x2800  }
0xcb: {  	[sflag:s3] =	ssyncset.done $0x0  }
0xcc: {  	s2 =	sadd.s32 $0x40, s9;
	[sflag:s3] =	ssyncadd.s32 $0xFFFFD800  }
0xcd: {  	[tilespmem:s7], [sflag:$0x5] =	stream.linear.gather [hbm4b:s2+s4], $0x80, $0x38;
	[tilespmem:$0x1BB00] =	vst v63  }
0xce: {  	_ =	swait.ge [sflag:s6], $0x80  }
0xcf: {  	[sflag:s6] =	ssyncset.done $0x0  }
0xd0: {  	[sflag:s6] =	ssyncadd.s32 $0xFFFFFF80  }
0xd1: {  	[tilespmem:s23], [sflag:$0x8] =	stream.indirect.gather [hbm4b:s1+s0], $0x80, s11, s0, $0xb8;
	[tilespmem:$0x1BB00] =	vst v63  }
.Ltmp3:
0xd2: {  	s7 =	simm.s32 $0xA8;
	s11 =	simm.s32 $0x3F00;
	(pc) =	sbr.rel @p0 .LBB2_6-.Ltmp3, $4  }
0xd3: {  	[tilespmem:s11], [sflag:$0xB] =	stream.indirect.gather [hbm4b:s1+s0], $0x80, s7, s0, $0xb8;
	[tilespmem:$0x1BB00] =	vst v63  }
0xd4: {  	s26 =	simm.s32 $0x180;
	_ =	swait.ge [sflag:s13], $0x2800  }
0xd5: {  	s30 =	simm.s32 $0x280;
	s21 =	simm.s32 $0x2B00;
	[sflag:s13] =	ssyncset.done $0x0  }
0xd6: {  	s25 =	simm.s32 $0x300;
	s28 =	simm.s32 $0x200;
	[sflag:s13] =	ssyncadd.s32 $0xFFFFD800  }
0xd7: {  	s9 =	sadd.s32 $0x50, s9;
	s2 =	simm.s32 $0x3  }
0xd8: {  	[tilespmem:s30], [sflag:$0x6] =	stream.linear.gather [hbm4b:s9+s4], $0x80, $0x38;
	[tilespmem:$0x1BB00] =	vst v63  }
0xd9: {  	_ =	swait.ge [sflag:s2], $0x80  }
0xda: {  	[sflag:s2] =	ssyncset.done $0x0  }
.Ltmp4:
0xdb: {  	s7 =	simm.s32 $0x100;
	[sflag:s2] =	ssyncadd.s32 $0xFFFFFF80;
	(pc) =	sbr.rel .LBB2_4-.Ltmp4, $4  }
0xdc: {  	[tilespmem:s10], [sflag:$0x9] =	stream.indirect.gather [hbm4b:s1+s0], $0x80, s7, s0, $0xb8;
	[tilespmem:$0x1BB00] =	vst v63  }
0xdd: {  	s26 =	simm.s32 $0x128;
	s28 =	simm.s32 $0x6700  }
0xde: {  	[tilespmem:s28], [sflag:$0xC] =	stream.indirect.gather [hbm4b:s1+s0], $0x80, s26, s0, $0xb8;
	[tilespmem:$0x1BB00] =	vst v63  }
0xdf: {  	s8 =	sadd.s32 $0x30, s8;
	s30 =	simm.s32 $0x5300;
	s26 =	simm.s32 $0x280  }
.LBB2_7:
0xe0: {  	_ =	sfence.sel $0x180000  }
0xe1: {  	[bflag:$0x0] =	sbarrier.arrive $0xFFFF  }
0xe2: {  	_ =	strace $0x9000004A  }
0xe3: {  	s0 =	stileid.u32;
	[bflag:$0x2] =	sbarrier.arrive $0xFFFF  }
0xe4: {  	p0 =	sne.s32 s0, $0x0;
	s0 =	rddreg [dreg:$0x3]  }
0xe5: {  	s0 =	sadd.s32 @!p0 $0x100000, s0  }
0xe6: {  	[sflag:s0] =	ssyncadd.tile.s32 @!p0 $0x1;
	_ =	shalt  }
.Lfunc_end2:
_tile_overlayer_lowered:
.L_overlay_start_2:
0xe7: {  	(tag) =	ssettag $0x2  }
0xe8: {  	s0 =	rddreg [dreg:$0x0];
	s2 =	stileid.u32  }
0xe9: {  	s1 =	rddreg [dreg:$0x1];
	p0 =	sne.s32 s2, $0x0  }
0xea: {  	s3 =	rddreg [dreg:$0x2];
	[bflag:$0x3] =	sbarrier.arrive $0xFFFF;
	s2 =	simm.s32 @!p0 $0x1C10  }
0xeb: {  	[timem:s3], [sflag:s2] =	dma.local @!p0 [hbm:s0], s1  }
0xec: {  	s0 =	simm.s32 @!p0 $0x10  }
0xed: {  	_ =	swait.ge @!p0 [sflag:s0], s1  }
0xee: {  	s1 =	ssub.s32 @!p0 $0x0, s1;
	[sflag:s0] =	ssyncset.done @!p0 $0x0  }
0xef: {  	[sflag:s0] =	ssyncadd.s32 @!p0 s1  }
0xf0: {  	[bflag:$0x3] =	sbarrier.arrive $0xFFFF  }
0xf1: {  	_ =	shalt  }

</sc_bundles>
